<compile_context>
chip_gen: v7x
topology: tpu7x:2x2x1
jax: 0.10.2.dev20260603
libtpu: 0.0.44.dev20260713+nightly
codegen_flags: <defaults>
</compile_context>

<pallas_src>
import functools

import jax
import jax.numpy as jnp
from jax import lax
from jax.experimental import pallas as pl
from jax.experimental.pallas import tpu as pltpu
from jax.experimental.pallas import tpu_sc as plsc

_W = 2048
_NBUF = 8


@functools.lru_cache(maxsize=None)
def _build(B, V, D):
    info = plsc.get_sparse_core_info()
    NC, NS, L = info.num_cores, info.num_subcores, info.num_lanes
    NW = NC * NS
    FPT = D // NW
    n_full = V // _W
    mid = (V - n_full * _W) // 128 * 128
    tail = V - n_full * _W - mid
    n_grp = n_full // _NBUF
    assert FPT >= 1 and _W % 128 == 0 and n_full % _NBUF == 0 and B % L == 0
    mesh = plsc.VectorSubcoreMesh(core_axis_name="c", subcore_axis_name="s")

    @functools.partial(
        pl.kernel,
        mesh=mesh,
        out_type=jax.ShapeDtypeStruct((D, B), jnp.float32),
        scratch_types=[
            pltpu.VMEM((B + L,), jnp.int32),
            pltpu.VMEM((B + L,), jnp.int32),
            [pltpu.VMEM((FPT, _W), jnp.float32)] * _NBUF,
            pltpu.VMEM((FPT, max(tail, 1)), jnp.float32),
            pltpu.VMEM((FPT, B), jnp.float32),
            [pltpu.SemaphoreType.DMA] * _NBUF,
        ],
        compiler_params=pltpu.CompilerParams(needs_layout_passes=False),
    )
    def gather_kernel(embt_hbm, sidx_hbm, pos_hbm, tailt_hbm, outt_hbm,
                      sidx_v, pos_v, bufs, tbuf, outt_v, sems):
        wid = lax.axis_index("s") * NC + lax.axis_index("c")
        f0 = wid * FPT
        rows = pl.ds(f0, FPT)
        pltpu.sync_copy(sidx_hbm, sidx_v)
        pltpu.sync_copy(pos_hbm, pos_v)

        def proc_block(n0, n1, buf, j):
            def cond(carry):
                return carry[1]

            def step(carry):
                j, _ = carry
                v = sidx_v[pl.ds(j, L)]
                mask = v < n1
                local = v - n0
                p = pos_v[pl.ds(j, L)]
                for f in range(FPT):
                    fs = jnp.full((L,), 0, jnp.int32) + f
                    vals = plsc.load_gather(buf, [fs, local], mask=mask)
                    plsc.store_scatter(outt_v, [fs, p], vals, mask=mask)
                cnt = plsc.all_reduce_population_count(mask)[0]
                return j + cnt, cnt == L

            j, _ = lax.while_loop(cond, step, (j, True))
            return j

        def start(k, buf, sem):
            pltpu.async_copy(
                embt_hbm.at[rows, pl.ds(k * _W, _W)], buf, sem)

        def wait(k, buf, sem):
            pltpu.make_async_copy(
                embt_hbm.at[rows, pl.ds(k * _W, _W)], buf, sem).wait()

        for u in range(_NBUF):
            start(u, bufs[u], sems[u])

        def grp_body(i, j):
            k0 = _NBUF * i
            for u in range(_NBUF):
                k = k0 + u
                wait(k, bufs[u], sems[u])
                j = proc_block(k * _W, (k + 1) * _W, bufs[u], j)

                @pl.when(i < n_grp - 1)
                def _():
                    start(k + _NBUF, bufs[u], sems[u])

            return j

        j = lax.fori_loop(0, n_grp, grp_body, 0)

        if mid:
            mbuf = bufs[0].at[:, pl.ds(0, mid)]
            pltpu.sync_copy(embt_hbm.at[rows, pl.ds(n_full * _W, mid)], mbuf)
            j = proc_block(n_full * _W, n_full * _W + mid, mbuf, j)

        if tail:
            pltpu.sync_copy(tailt_hbm.at[rows, :], tbuf)
            proc_block(V - tail, V, tbuf, j)

        pltpu.sync_copy(outt_v, outt_hbm.at[rows, :])

    return gather_kernel


def kernel(idx, emb):
    B, = idx.shape
    V, D = emb.shape
    idx32 = idx.astype(jnp.int32)
    sidx, pos = lax.sort_key_val(idx32, lax.iota(jnp.int32, B))
    sidx = jnp.concatenate([sidx, jnp.full((16,), jnp.int32(2**31 - 1))])
    pos = jnp.concatenate([pos, jnp.zeros((16,), jnp.int32)])
    tail = V % 128
    tailt = emb[V - tail:, :].T if tail else jnp.zeros((D, 1), jnp.float32)
    outt = _build(B, V, D)(emb.T, sidx, pos, tailt)
    return outt.T

# --- scband reference (transcript-rebuilt; emitter-appended) ---
"""Pipeline reference for scband-dist-emb-34402688041408 (READ-ONLY COPY).

The authoritative reference and input builder live on the scoring server;
editing this copy changes nothing except your own understanding.
"""

import jax, jax.numpy as jnp
import numpy as np

NUM_NODES = 1000000
EMB_SIZE = 64
BATCH = 16384

def setup_inputs(seed: int = 0) -> dict:
    key = jax.random.key(seed)
    k_idx, k_emb = jax.random.split(key)
    idx = jax.random.randint(k_idx, (BATCH,), 0, NUM_NODES, dtype=jnp.int64 if jax.config.jax_enable_x64 else jnp.int32)
    # Embedding table initialized uniform(-1, 1) per initializer()
    emb = jax.random.uniform(k_emb, (NUM_NODES, EMB_SIZE), dtype=jnp.float32, minval=-1.0, maxval=1.0)
    return {"idx": idx, "emb": emb}

def reference(idx, emb):
    # DistEmb.forward: gather rows of the node embedding table
    return jnp.take(emb, idx, axis=0)

if __name__ == "__main__":
    import jax
    _d = setup_inputs()
    print(jax.jit(kernel)(*tuple(_d.values())))

</pallas_src>

<mosaic_0001>
#map = affine_map<(d0, d1) -> (0, 0)>
#map1 = affine_map<(d0, d1) -> (0)>
module attributes {stable_mosaic.version = 14 : i64} {
  func.func @gather_kernel(%arg0: i32, %arg1: i32, %arg2: memref<64x1000000xf32, #tpu.memory_space<hbm>>, %arg3: memref<16400xi32, #tpu.memory_space<hbm>>, %arg4: memref<16400xi32, #tpu.memory_space<hbm>>, %arg5: memref<64x64xf32, #tpu.memory_space<hbm>>, %arg6: memref<64x16384xf32, #tpu.memory_space<hbm>>, %arg7: memref<16400xi32, #tpu.memory_space<vmem>>, %arg8: memref<16400xi32, #tpu.memory_space<vmem>>, %arg9: memref<2x2048xf32, #tpu.memory_space<vmem>>, %arg10: memref<2x2048xf32, #tpu.memory_space<vmem>>, %arg11: memref<2x2048xf32, #tpu.memory_space<vmem>>, %arg12: memref<2x2048xf32, #tpu.memory_space<vmem>>, %arg13: memref<2x2048xf32, #tpu.memory_space<vmem>>, %arg14: memref<2x2048xf32, #tpu.memory_space<vmem>>, %arg15: memref<2x2048xf32, #tpu.memory_space<vmem>>, %arg16: memref<2x2048xf32, #tpu.memory_space<vmem>>, %arg17: memref<2x64xf32, #tpu.memory_space<vmem>>, %arg18: memref<2x16384xf32, #tpu.memory_space<vmem>>, %arg19: memref<!tpu.dma_semaphore, #tpu.memory_space<semaphore_mem>>, %arg20: memref<!tpu.dma_semaphore, #tpu.memory_space<semaphore_mem>>, %arg21: memref<!tpu.dma_semaphore, #tpu.memory_space<semaphore_mem>>, %arg22: memref<!tpu.dma_semaphore, #tpu.memory_space<semaphore_mem>>, %arg23: memref<!tpu.dma_semaphore, #tpu.memory_space<semaphore_mem>>, %arg24: memref<!tpu.dma_semaphore, #tpu.memory_space<semaphore_mem>>, %arg25: memref<!tpu.dma_semaphore, #tpu.memory_space<semaphore_mem>>, %arg26: memref<!tpu.dma_semaphore, #tpu.memory_space<semaphore_mem>>) attributes {dimension_semantics = [#tpu.dimension_semantics<core_parallel>, #tpu.dimension_semantics<subcore_parallel>], iteration_bounds = array<i64: 2, 16>, scalar_prefetch = 0 : i64, scratch_operands = 20 : i64, tpu.core_type = #tpu.core_type<sc_vector_subcore>, window_params = [{transform_indices = #map}, {transform_indices = #map1}, {transform_indices = #map1}, {transform_indices = #map}, {transform_indices = #map}]} {
    %mul3A = arith.constant 2 : i32
    %mul3A_0 = arith.muli %arg1, %mul3A : i32
    %add3A = arith.addi %mul3A_0, %arg0 : i32
    %mul3A_1 = arith.constant 2 : i32
    %mul3A_2 = arith.muli %add3A, %mul3A_1 : i32
    "tpu.region"() ({
      %run_scoped3A = tpu.sem_alloc : memref<!tpu.dma_semaphore, #tpu.memory_space<semaphore_mem>>
      tpu.enqueue_dma source(%arg3 : memref<16400xi32, #tpu.memory_space<hbm>>) target(%arg7 : memref<16400xi32, #tpu.memory_space<vmem>>) target_semaphore(%run_scoped3A : memref<!tpu.dma_semaphore, #tpu.memory_space<semaphore_mem>>)
      tpu.wait_dma2 semaphore(%run_scoped3A : memref<!tpu.dma_semaphore, #tpu.memory_space<semaphore_mem>>) src(%arg3 : memref<16400xi32, #tpu.memory_space<hbm>>) dst(%arg7 : memref<16400xi32, #tpu.memory_space<vmem>>)
      tpu.yield
    }) : () -> ()
    "tpu.region"() ({
      %run_scoped3A = tpu.sem_alloc : memref<!tpu.dma_semaphore, #tpu.memory_space<semaphore_mem>>
      tpu.enqueue_dma source(%arg4 : memref<16400xi32, #tpu.memory_space<hbm>>) target(%arg8 : memref<16400xi32, #tpu.memory_space<vmem>>) target_semaphore(%run_scoped3A : memref<!tpu.dma_semaphore, #tpu.memory_space<semaphore_mem>>)
      tpu.wait_dma2 semaphore(%run_scoped3A : memref<!tpu.dma_semaphore, #tpu.memory_space<semaphore_mem>>) src(%arg4 : memref<16400xi32, #tpu.memory_space<hbm>>) dst(%arg8 : memref<16400xi32, #tpu.memory_space<vmem>>)
      tpu.yield
    }) : () -> ()
    %dma_start3A = arith.constant 0 : i32
    %dma_start3A_3 = tpu.memref_slice %arg2[%mul3A_2, %dma_start3A] : memref<64x1000000xf32, #tpu.memory_space<hbm>> -> memref<2x2048xf32, #tpu.memory_space<hbm>>
    %dma_start3A_4 = arith.constant 0 : i32
    %dma_start3A_5 = tpu.memref_slice %arg2[%mul3A_2, %dma_start3A_4] : memref<64x1000000xf32, #tpu.memory_space<hbm>> -> memref<2x2048xf32, #tpu.memory_space<hbm>>
    tpu.enqueue_dma source(%dma_start3A_5 : memref<2x2048xf32, #tpu.memory_space<hbm>>) target(%arg9 : memref<2x2048xf32, #tpu.memory_space<vmem>>) target_semaphore(%arg19 : memref<!tpu.dma_semaphore, #tpu.memory_space<semaphore_mem>>)
    %dma_start3A_6 = arith.constant 2048 : i32
    %dma_start3A_7 = tpu.memref_slice %arg2[%mul3A_2, %dma_start3A_6] : memref<64x1000000xf32, #tpu.memory_space<hbm>> -> memref<2x2048xf32, #tpu.memory_space<hbm>>
    %dma_start3A_8 = arith.constant 2048 : i32
    %dma_start3A_9 = tpu.memref_slice %arg2[%mul3A_2, %dma_start3A_8] : memref<64x1000000xf32, #tpu.memory_space<hbm>> -> memref<2x2048xf32, #tpu.memory_space<hbm>>
    tpu.enqueue_dma source(%dma_start3A_9 : memref<2x2048xf32, #tpu.memory_space<hbm>>) target(%arg10 : memref<2x2048xf32, #tpu.memory_space<vmem>>) target_semaphore(%arg20 : memref<!tpu.dma_semaphore, #tpu.memory_space<semaphore_mem>>)
    %dma_start3A_10 = arith.constant 4096 : i32
    %dma_start3A_11 = tpu.memref_slice %arg2[%mul3A_2, %dma_start3A_10] : memref<64x1000000xf32, #tpu.memory_space<hbm>> -> memref<2x2048xf32, #tpu.memory_space<hbm>>
    %dma_start3A_12 = arith.constant 4096 : i32
    %dma_start3A_13 = tpu.memref_slice %arg2[%mul3A_2, %dma_start3A_12] : memref<64x1000000xf32, #tpu.memory_space<hbm>> -> memref<2x2048xf32, #tpu.memory_space<hbm>>
    tpu.enqueue_dma source(%dma_start3A_13 : memref<2x2048xf32, #tpu.memory_space<hbm>>) target(%arg11 : memref<2x2048xf32, #tpu.memory_space<vmem>>) target_semaphore(%arg21 : memref<!tpu.dma_semaphore, #tpu.memory_space<semaphore_mem>>)
    %dma_start3A_14 = arith.constant 6144 : i32
    %dma_start3A_15 = tpu.memref_slice %arg2[%mul3A_2, %dma_start3A_14] : memref<64x1000000xf32, #tpu.memory_space<hbm>> -> memref<2x2048xf32, #tpu.memory_space<hbm>>
    %dma_start3A_16 = arith.constant 6144 : i32
    %dma_start3A_17 = tpu.memref_slice %arg2[%mul3A_2, %dma_start3A_16] : memref<64x1000000xf32, #tpu.memory_space<hbm>> -> memref<2x2048xf32, #tpu.memory_space<hbm>>
    tpu.enqueue_dma source(%dma_start3A_17 : memref<2x2048xf32, #tpu.memory_space<hbm>>) target(%arg12 : memref<2x2048xf32, #tpu.memory_space<vmem>>) target_semaphore(%arg22 : memref<!tpu.dma_semaphore, #tpu.memory_space<semaphore_mem>>)
    %dma_start3A_18 = arith.constant 8192 : i32
    %dma_start3A_19 = tpu.memref_slice %arg2[%mul3A_2, %dma_start3A_18] : memref<64x1000000xf32, #tpu.memory_space<hbm>> -> memref<2x2048xf32, #tpu.memory_space<hbm>>
    %dma_start3A_20 = arith.constant 8192 : i32
    %dma_start3A_21 = tpu.memref_slice %arg2[%mul3A_2, %dma_start3A_20] : memref<64x1000000xf32, #tpu.memory_space<hbm>> -> memref<2x2048xf32, #tpu.memory_space<hbm>>
    tpu.enqueue_dma source(%dma_start3A_21 : memref<2x2048xf32, #tpu.memory_space<hbm>>) target(%arg13 : memref<2x2048xf32, #tpu.memory_space<vmem>>) target_semaphore(%arg23 : memref<!tpu.dma_semaphore, #tpu.memory_space<semaphore_mem>>)
    %dma_start3A_22 = arith.constant 10240 : i32
    %dma_start3A_23 = tpu.memref_slice %arg2[%mul3A_2, %dma_start3A_22] : memref<64x1000000xf32, #tpu.memory_space<hbm>> -> memref<2x2048xf32, #tpu.memory_space<hbm>>
    %dma_start3A_24 = arith.constant 10240 : i32
    %dma_start3A_25 = tpu.memref_slice %arg2[%mul3A_2, %dma_start3A_24] : memref<64x1000000xf32, #tpu.memory_space<hbm>> -> memref<2x2048xf32, #tpu.memory_space<hbm>>
    tpu.enqueue_dma source(%dma_start3A_25 : memref<2x2048xf32, #tpu.memory_space<hbm>>) target(%arg14 : memref<2x2048xf32, #tpu.memory_space<vmem>>) target_semaphore(%arg24 : memref<!tpu.dma_semaphore, #tpu.memory_space<semaphore_mem>>)
    %dma_start3A_26 = arith.constant 12288 : i32
    %dma_start3A_27 = tpu.memref_slice %arg2[%mul3A_2, %dma_start3A_26] : memref<64x1000000xf32, #tpu.memory_space<hbm>> -> memref<2x2048xf32, #tpu.memory_space<hbm>>
    %dma_start3A_28 = arith.constant 12288 : i32
    %dma_start3A_29 = tpu.memref_slice %arg2[%mul3A_2, %dma_start3A_28] : memref<64x1000000xf32, #tpu.memory_space<hbm>> -> memref<2x2048xf32, #tpu.memory_space<hbm>>
    tpu.enqueue_dma source(%dma_start3A_29 : memref<2x2048xf32, #tpu.memory_space<hbm>>) target(%arg15 : memref<2x2048xf32, #tpu.memory_space<vmem>>) target_semaphore(%arg25 : memref<!tpu.dma_semaphore, #tpu.memory_space<semaphore_mem>>)
    %dma_start3A_30 = arith.constant 14336 : i32
    %dma_start3A_31 = tpu.memref_slice %arg2[%mul3A_2, %dma_start3A_30] : memref<64x1000000xf32, #tpu.memory_space<hbm>> -> memref<2x2048xf32, #tpu.memory_space<hbm>>
    %dma_start3A_32 = arith.constant 14336 : i32
    %dma_start3A_33 = tpu.memref_slice %arg2[%mul3A_2, %dma_start3A_32] : memref<64x1000000xf32, #tpu.memory_space<hbm>> -> memref<2x2048xf32, #tpu.memory_space<hbm>>
    tpu.enqueue_dma source(%dma_start3A_33 : memref<2x2048xf32, #tpu.memory_space<hbm>>) target(%arg16 : memref<2x2048xf32, #tpu.memory_space<vmem>>) target_semaphore(%arg26 : memref<!tpu.dma_semaphore, #tpu.memory_space<semaphore_mem>>)
    %scan3A = arith.constant 0 : i32
    %scan3A_34 = arith.constant 0 : i32
    %scan3A_35 = arith.constant 61 : i32
    %scan3A_36 = arith.addi %scan3A_34, %scan3A_35 : i32
    %scan3A_37 = arith.constant 1 : i32
    %scan3A_38 = scf.for %scan3A_43 = %scan3A_34 to %scan3A_36 step %scan3A_37 iter_args(%scan3A_44 = %scan3A) -> (i32)  : i32 {
      %mul3A_45 = arith.constant 8 : i32
      %mul3A_46 = arith.muli %mul3A_45, %scan3A_43 : i32
      %add3A_47 = arith.constant 0 : i32
      %add3A_48 = arith.addi %mul3A_46, %add3A_47 : i32
      %mul3A_49 = arith.constant 2048 : i32
      %mul3A_50 = arith.muli %add3A_48, %mul3A_49 : i32
      %dma_wait3A = tpu.memref_slice %arg2[%mul3A_2, %mul3A_50] : memref<64x1000000xf32, #tpu.memory_space<hbm>> -> memref<2x2048xf32, #tpu.memory_space<hbm>>
      %dma_wait3A_51 = tpu.memref_slice %arg2[%mul3A_2, %mul3A_50] : memref<64x1000000xf32, #tpu.memory_space<hbm>> -> memref<2x2048xf32, #tpu.memory_space<hbm>>
      tpu.wait_dma2 semaphore(%arg19 : memref<!tpu.dma_semaphore, #tpu.memory_space<semaphore_mem>>) src(%dma_wait3A_51 : memref<2x2048xf32, #tpu.memory_space<hbm>>) dst(%arg9 : memref<2x2048xf32, #tpu.memory_space<vmem>>)
      %mul3A_52 = arith.constant 2048 : i32
      %mul3A_53 = arith.muli %add3A_48, %mul3A_52 : i32
      %add3A_54 = arith.constant 1 : i32
      %add3A_55 = arith.addi %add3A_48, %add3A_54 : i32
      %mul3A_56 = arith.constant 2048 : i32
      %mul3A_57 = arith.muli %add3A_55, %mul3A_56 : i32
      %while3A_58 = arith.constant true
      %while3A_59:2 = scf.while (%while3A_195 = %scan3A_44, %while3A_196 = %while3A_58) : (i32, i1) -> (i32, i1) {
        scf.condition(%while3A_196) %while3A_195, %while3A_196 : i32, i1
      } do {
      ^bb0(%while3A_195: i32, %while3A_196: i1):
        %get3A = arith.index_cast %while3A_195 : i32 to index
        %get3A_197 = tpu.vector_load %arg7[%get3A] {strides = array<i32>} : memref<16400xi32, #tpu.memory_space<vmem>>, vector<16xi32>,
        %lt3A_198 = vector.broadcast %mul3A_57 : i32 to vector<16xi32>
        %lt3A_199 = arith.cmpi slt, %get3A_197, %lt3A_198 : vector<16xi32>
        %sub3A = vector.broadcast %mul3A_53 : i32 to vector<16xi32>
        %sub3A_200 = arith.subi %get3A_197, %sub3A : vector<16xi32>
        %get3A_201 = arith.index_cast %while3A_195 : i32 to index
        %get3A_202 = tpu.vector_load %arg8[%get3A_201] {strides = array<i32>} : memref<16400xi32, #tpu.memory_space<vmem>>, vector<16xi32>,
        %broadcast_in_dim3A = arith.constant 0 : i32
        %broadcast_in_dim3A_203 = vector.broadcast %broadcast_in_dim3A : i32 to vector<16xi32>
        %add3A_204 = arith.constant 0 : i32
        %add3A_205 = vector.broadcast %add3A_204 : i32 to vector<16xi32>
        %add3A_206 = arith.addi %broadcast_in_dim3A_203, %add3A_205 : vector<16xi32>
        %gather3A = tpu.vector_load_idx %arg9[%add3A_206, %sub3A_200] masked %lt3A_199 : memref<2x2048xf32, #tpu.memory_space<vmem>>[vector<16xi32>, vector<16xi32>], vector<16xf32>, vector<16xi1>
        tpu.vector_store_idx %arg18[%add3A_206, %get3A_202], %gather3A masked %lt3A_199 : memref<2x16384xf32, #tpu.memory_space<vmem>>[vector<16xi32>, vector<16xi32>], vector<16xf32>, vector<16xi1>
        %broadcast_in_dim3A_207 = arith.constant 0 : i32
        %broadcast_in_dim3A_208 = vector.broadcast %broadcast_in_dim3A_207 : i32 to vector<16xi32>
        %add3A_209 = arith.constant 1 : i32
        %add3A_210 = vector.broadcast %add3A_209 : i32 to vector<16xi32>
        %add3A_211 = arith.addi %broadcast_in_dim3A_208, %add3A_210 : vector<16xi32>
        %gather3A_212 = tpu.vector_load_idx %arg9[%add3A_211, %sub3A_200] masked %lt3A_199 : memref<2x2048xf32, #tpu.memory_space<vmem>>[vector<16xi32>, vector<16xi32>], vector<16xf32>, vector<16xi1>
        tpu.vector_store_idx %arg18[%add3A_211, %get3A_202], %gather3A_212 masked %lt3A_199 : memref<2x16384xf32, #tpu.memory_space<vmem>>[vector<16xi32>, vector<16xi32>], vector<16xf32>, vector<16xi1>
        %all_reduce_population_count3A = tpu.all_reduce %lt3A_199 {dim = 0 : i64, kind = #tpu.reduction_kind<sum>} : vector<16xi1> -> vector<16xi32>
        %slice3A = vector.extract_strided_slice %all_reduce_population_count3A {offsets = [0], sizes = [1], strides = [1]} : vector<16xi32> to vector<1xi32>
        %squeeze3A = vector.extract %slice3A[0] : i32 from vector<1xi32>
        %add3A_213 = arith.addi %while3A_195, %squeeze3A : i32
        %eq3A = arith.constant 16 : i32
        %eq3A_214 = arith.cmpi eq, %squeeze3A, %eq3A : i32
        scf.yield %add3A_213, %eq3A_214 : i32, i1
      }
      %lt3A = arith.constant 60 : i32
      %lt3A_60 = arith.cmpi slt, %scan3A_43, %lt3A : i32
      %convert_element_type3A = arith.extui %lt3A_60 : i1 to i32
      %cond3A = arith.constant 0 : i32
      %cond3A_61 = arith.cmpi ne, %convert_element_type3A, %cond3A : i32
      scf.if %cond3A_61 {
        %add3A_195 = arith.constant 8 : i32
        %add3A_196 = arith.addi %add3A_48, %add3A_195 : i32
        %mul3A_197 = arith.constant 2048 : i32
        %mul3A_198 = arith.muli %add3A_196, %mul3A_197 : i32
        %dma_start3A_199 = tpu.memref_slice %arg2[%mul3A_2, %mul3A_198] : memref<64x1000000xf32, #tpu.memory_space<hbm>> -> memref<2x2048xf32, #tpu.memory_space<hbm>>
        %dma_start3A_200 = tpu.memref_slice %arg2[%mul3A_2, %mul3A_198] : memref<64x1000000xf32, #tpu.memory_space<hbm>> -> memref<2x2048xf32, #tpu.memory_space<hbm>>
        tpu.enqueue_dma source(%dma_start3A_200 : memref<2x2048xf32, #tpu.memory_space<hbm>>) target(%arg9 : memref<2x2048xf32, #tpu.memory_space<vmem>>) target_semaphore(%arg19 : memref<!tpu.dma_semaphore, #tpu.memory_space<semaphore_mem>>)
      } else {
      }
      %add3A_62 = arith.constant 1 : i32
      %add3A_63 = arith.addi %mul3A_46, %add3A_62 : i32
      %mul3A_64 = arith.constant 2048 : i32
      %mul3A_65 = arith.muli %add3A_63, %mul3A_64 : i32
      %dma_wait3A_66 = tpu.memref_slice %arg2[%mul3A_2, %mul3A_65] : memref<64x1000000xf32, #tpu.memory_space<hbm>> -> memref<2x2048xf32, #tpu.memory_space<hbm>>
      %dma_wait3A_67 = tpu.memref_slice %arg2[%mul3A_2, %mul3A_65] : memref<64x1000000xf32, #tpu.memory_space<hbm>> -> memref<2x2048xf32, #tpu.memory_space<hbm>>
      tpu.wait_dma2 semaphore(%arg20 : memref<!tpu.dma_semaphore, #tpu.memory_space<semaphore_mem>>) src(%dma_wait3A_67 : memref<2x2048xf32, #tpu.memory_space<hbm>>) dst(%arg10 : memref<2x2048xf32, #tpu.memory_space<vmem>>)
      %mul3A_68 = arith.constant 2048 : i32
      %mul3A_69 = arith.muli %add3A_63, %mul3A_68 : i32
      %add3A_70 = arith.constant 1 : i32
      %add3A_71 = arith.addi %add3A_63, %add3A_70 : i32
      %mul3A_72 = arith.constant 2048 : i32
      %mul3A_73 = arith.muli %add3A_71, %mul3A_72 : i32
      %while3A_74 = arith.constant true
      %while3A_75:2 = scf.while (%while3A_195 = %while3A_59#0, %while3A_196 = %while3A_74) : (i32, i1) -> (i32, i1) {
        scf.condition(%while3A_196) %while3A_195, %while3A_196 : i32, i1
      } do {
      ^bb0(%while3A_195: i32, %while3A_196: i1):
        %get3A = arith.index_cast %while3A_195 : i32 to index
        %get3A_197 = tpu.vector_load %arg7[%get3A] {strides = array<i32>} : memref<16400xi32, #tpu.memory_space<vmem>>, vector<16xi32>,
        %lt3A_198 = vector.broadcast %mul3A_73 : i32 to vector<16xi32>
        %lt3A_199 = arith.cmpi slt, %get3A_197, %lt3A_198 : vector<16xi32>
        %sub3A = vector.broadcast %mul3A_69 : i32 to vector<16xi32>
        %sub3A_200 = arith.subi %get3A_197, %sub3A : vector<16xi32>
        %get3A_201 = arith.index_cast %while3A_195 : i32 to index
        %get3A_202 = tpu.vector_load %arg8[%get3A_201] {strides = array<i32>} : memref<16400xi32, #tpu.memory_space<vmem>>, vector<16xi32>,
        %broadcast_in_dim3A = arith.constant 0 : i32
        %broadcast_in_dim3A_203 = vector.broadcast %broadcast_in_dim3A : i32 to vector<16xi32>
        %add3A_204 = arith.constant 0 : i32
        %add3A_205 = vector.broadcast %add3A_204 : i32 to vector<16xi32>
        %add3A_206 = arith.addi %broadcast_in_dim3A_203, %add3A_205 : vector<16xi32>
        %gather3A = tpu.vector_load_idx %arg10[%add3A_206, %sub3A_200] masked %lt3A_199 : memref<2x2048xf32, #tpu.memory_space<vmem>>[vector<16xi32>, vector<16xi32>], vector<16xf32>, vector<16xi1>
        tpu.vector_store_idx %arg18[%add3A_206, %get3A_202], %gather3A masked %lt3A_199 : memref<2x16384xf32, #tpu.memory_space<vmem>>[vector<16xi32>, vector<16xi32>], vector<16xf32>, vector<16xi1>
        %broadcast_in_dim3A_207 = arith.constant 0 : i32
        %broadcast_in_dim3A_208 = vector.broadcast %broadcast_in_dim3A_207 : i32 to vector<16xi32>
        %add3A_209 = arith.constant 1 : i32
        %add3A_210 = vector.broadcast %add3A_209 : i32 to vector<16xi32>
        %add3A_211 = arith.addi %broadcast_in_dim3A_208, %add3A_210 : vector<16xi32>
        %gather3A_212 = tpu.vector_load_idx %arg10[%add3A_211, %sub3A_200] masked %lt3A_199 : memref<2x2048xf32, #tpu.memory_space<vmem>>[vector<16xi32>, vector<16xi32>], vector<16xf32>, vector<16xi1>
        tpu.vector_store_idx %arg18[%add3A_211, %get3A_202], %gather3A_212 masked %lt3A_199 : memref<2x16384xf32, #tpu.memory_space<vmem>>[vector<16xi32>, vector<16xi32>], vector<16xf32>, vector<16xi1>
        %all_reduce_population_count3A = tpu.all_reduce %lt3A_199 {dim = 0 : i64, kind = #tpu.reduction_kind<sum>} : vector<16xi1> -> vector<16xi32>
        %slice3A = vector.extract_strided_slice %all_reduce_population_count3A {offsets = [0], sizes = [1], strides = [1]} : vector<16xi32> to vector<1xi32>
        %squeeze3A = vector.extract %slice3A[0] : i32 from vector<1xi32>
        %add3A_213 = arith.addi %while3A_195, %squeeze3A : i32
        %eq3A = arith.constant 16 : i32
        %eq3A_214 = arith.cmpi eq, %squeeze3A, %eq3A : i32
        scf.yield %add3A_213, %eq3A_214 : i32, i1
      }
      %lt3A_76 = arith.constant 60 : i32
      %lt3A_77 = arith.cmpi slt, %scan3A_43, %lt3A_76 : i32
      %convert_element_type3A_78 = arith.extui %lt3A_77 : i1 to i32
      %cond3A_79 = arith.constant 0 : i32
      %cond3A_80 = arith.cmpi ne, %convert_element_type3A_78, %cond3A_79 : i32
      scf.if %cond3A_80 {
        %add3A_195 = arith.constant 8 : i32
        %add3A_196 = arith.addi %add3A_63, %add3A_195 : i32
        %mul3A_197 = arith.constant 2048 : i32
        %mul3A_198 = arith.muli %add3A_196, %mul3A_197 : i32
        %dma_start3A_199 = tpu.memref_slice %arg2[%mul3A_2, %mul3A_198] : memref<64x1000000xf32, #tpu.memory_space<hbm>> -> memref<2x2048xf32, #tpu.memory_space<hbm>>
        %dma_start3A_200 = tpu.memref_slice %arg2[%mul3A_2, %mul3A_198] : memref<64x1000000xf32, #tpu.memory_space<hbm>> -> memref<2x2048xf32, #tpu.memory_space<hbm>>
        tpu.enqueue_dma source(%dma_start3A_200 : memref<2x2048xf32, #tpu.memory_space<hbm>>) target(%arg10 : memref<2x2048xf32, #tpu.memory_space<vmem>>) target_semaphore(%arg20 : memref<!tpu.dma_semaphore, #tpu.memory_space<semaphore_mem>>)
      } else {
      }
      %add3A_81 = arith.constant 2 : i32
      %add3A_82 = arith.addi %mul3A_46, %add3A_81 : i32
      %mul3A_83 = arith.constant 2048 : i32
      %mul3A_84 = arith.muli %add3A_82, %mul3A_83 : i32
      %dma_wait3A_85 = tpu.memref_slice %arg2[%mul3A_2, %mul3A_84] : memref<64x1000000xf32, #tpu.memory_space<hbm>> -> memref<2x2048xf32, #tpu.memory_space<hbm>>
      %dma_wait3A_86 = tpu.memref_slice %arg2[%mul3A_2, %mul3A_84] : memref<64x1000000xf32, #tpu.memory_space<hbm>> -> memref<2x2048xf32, #tpu.memory_space<hbm>>
      tpu.wait_dma2 semaphore(%arg21 : memref<!tpu.dma_semaphore, #tpu.memory_space<semaphore_mem>>) src(%dma_wait3A_86 : memref<2x2048xf32, #tpu.memory_space<hbm>>) dst(%arg11 : memref<2x2048xf32, #tpu.memory_space<vmem>>)
      %mul3A_87 = arith.constant 2048 : i32
      %mul3A_88 = arith.muli %add3A_82, %mul3A_87 : i32
      %add3A_89 = arith.constant 1 : i32
      %add3A_90 = arith.addi %add3A_82, %add3A_89 : i32
      %mul3A_91 = arith.constant 2048 : i32
      %mul3A_92 = arith.muli %add3A_90, %mul3A_91 : i32
      %while3A_93 = arith.constant true
      %while3A_94:2 = scf.while (%while3A_195 = %while3A_75#0, %while3A_196 = %while3A_93) : (i32, i1) -> (i32, i1) {
        scf.condition(%while3A_196) %while3A_195, %while3A_196 : i32, i1
      } do {
      ^bb0(%while3A_195: i32, %while3A_196: i1):
        %get3A = arith.index_cast %while3A_195 : i32 to index
        %get3A_197 = tpu.vector_load %arg7[%get3A] {strides = array<i32>} : memref<16400xi32, #tpu.memory_space<vmem>>, vector<16xi32>,
        %lt3A_198 = vector.broadcast %mul3A_92 : i32 to vector<16xi32>
        %lt3A_199 = arith.cmpi slt, %get3A_197, %lt3A_198 : vector<16xi32>
        %sub3A = vector.broadcast %mul3A_88 : i32 to vector<16xi32>
        %sub3A_200 = arith.subi %get3A_197, %sub3A : vector<16xi32>
        %get3A_201 = arith.index_cast %while3A_195 : i32 to index
        %get3A_202 = tpu.vector_load %arg8[%get3A_201] {strides = array<i32>} : memref<16400xi32, #tpu.memory_space<vmem>>, vector<16xi32>,
        %broadcast_in_dim3A = arith.constant 0 : i32
        %broadcast_in_dim3A_203 = vector.broadcast %broadcast_in_dim3A : i32 to vector<16xi32>
        %add3A_204 = arith.constant 0 : i32
        %add3A_205 = vector.broadcast %add3A_204 : i32 to vector<16xi32>
        %add3A_206 = arith.addi %broadcast_in_dim3A_203, %add3A_205 : vector<16xi32>
        %gather3A = tpu.vector_load_idx %arg11[%add3A_206, %sub3A_200] masked %lt3A_199 : memref<2x2048xf32, #tpu.memory_space<vmem>>[vector<16xi32>, vector<16xi32>], vector<16xf32>, vector<16xi1>
        tpu.vector_store_idx %arg18[%add3A_206, %get3A_202], %gather3A masked %lt3A_199 : memref<2x16384xf32, #tpu.memory_space<vmem>>[vector<16xi32>, vector<16xi32>], vector<16xf32>, vector<16xi1>
        %broadcast_in_dim3A_207 = arith.constant 0 : i32
        %broadcast_in_dim3A_208 = vector.broadcast %broadcast_in_dim3A_207 : i32 to vector<16xi32>
        %add3A_209 = arith.constant 1 : i32
        %add3A_210 = vector.broadcast %add3A_209 : i32 to vector<16xi32>
        %add3A_211 = arith.addi %broadcast_in_dim3A_208, %add3A_210 : vector<16xi32>
        %gather3A_212 = tpu.vector_load_idx %arg11[%add3A_211, %sub3A_200] masked %lt3A_199 : memref<2x2048xf32, #tpu.memory_space<vmem>>[vector<16xi32>, vector<16xi32>], vector<16xf32>, vector<16xi1>
        tpu.vector_store_idx %arg18[%add3A_211, %get3A_202], %gather3A_212 masked %lt3A_199 : memref<2x16384xf32, #tpu.memory_space<vmem>>[vector<16xi32>, vector<16xi32>], vector<16xf32>, vector<16xi1>
        %all_reduce_population_count3A = tpu.all_reduce %lt3A_199 {dim = 0 : i64, kind = #tpu.reduction_kind<sum>} : vector<16xi1> -> vector<16xi32>
        %slice3A = vector.extract_strided_slice %all_reduce_population_count3A {offsets = [0], sizes = [1], strides = [1]} : vector<16xi32> to vector<1xi32>
        %squeeze3A = vector.extract %slice3A[0] : i32 from vector<1xi32>
        %add3A_213 = arith.addi %while3A_195, %squeeze3A : i32
        %eq3A = arith.constant 16 : i32
        %eq3A_214 = arith.cmpi eq, %squeeze3A, %eq3A : i32
        scf.yield %add3A_213, %eq3A_214 : i32, i1
      }
      %lt3A_95 = arith.constant 60 : i32
      %lt3A_96 = arith.cmpi slt, %scan3A_43, %lt3A_95 : i32
      %convert_element_type3A_97 = arith.extui %lt3A_96 : i1 to i32
      %cond3A_98 = arith.constant 0 : i32
      %cond3A_99 = arith.cmpi ne, %convert_element_type3A_97, %cond3A_98 : i32
      scf.if %cond3A_99 {
        %add3A_195 = arith.constant 8 : i32
        %add3A_196 = arith.addi %add3A_82, %add3A_195 : i32
        %mul3A_197 = arith.constant 2048 : i32
        %mul3A_198 = arith.muli %add3A_196, %mul3A_197 : i32
        %dma_start3A_199 = tpu.memref_slice %arg2[%mul3A_2, %mul3A_198] : memref<64x1000000xf32, #tpu.memory_space<hbm>> -> memref<2x2048xf32, #tpu.memory_space<hbm>>
        %dma_start3A_200 = tpu.memref_slice %arg2[%mul3A_2, %mul3A_198] : memref<64x1000000xf32, #tpu.memory_space<hbm>> -> memref<2x2048xf32, #tpu.memory_space<hbm>>
        tpu.enqueue_dma source(%dma_start3A_200 : memref<2x2048xf32, #tpu.memory_space<hbm>>) target(%arg11 : memref<2x2048xf32, #tpu.memory_space<vmem>>) target_semaphore(%arg21 : memref<!tpu.dma_semaphore, #tpu.memory_space<semaphore_mem>>)
      } else {
      }
      %add3A_100 = arith.constant 3 : i32
      %add3A_101 = arith.addi %mul3A_46, %add3A_100 : i32
      %mul3A_102 = arith.constant 2048 : i32
      %mul3A_103 = arith.muli %add3A_101, %mul3A_102 : i32
      %dma_wait3A_104 = tpu.memref_slice %arg2[%mul3A_2, %mul3A_103] : memref<64x1000000xf32, #tpu.memory_space<hbm>> -> memref<2x2048xf32, #tpu.memory_space<hbm>>
      %dma_wait3A_105 = tpu.memref_slice %arg2[%mul3A_2, %mul3A_103] : memref<64x1000000xf32, #tpu.memory_space<hbm>> -> memref<2x2048xf32, #tpu.memory_space<hbm>>
      tpu.wait_dma2 semaphore(%arg22 : memref<!tpu.dma_semaphore, #tpu.memory_space<semaphore_mem>>) src(%dma_wait3A_105 : memref<2x2048xf32, #tpu.memory_space<hbm>>) dst(%arg12 : memref<2x2048xf32, #tpu.memory_space<vmem>>)
      %mul3A_106 = arith.constant 2048 : i32
      %mul3A_107 = arith.muli %add3A_101, %mul3A_106 : i32
      %add3A_108 = arith.constant 1 : i32
      %add3A_109 = arith.addi %add3A_101, %add3A_108 : i32
      %mul3A_110 = arith.constant 2048 : i32
      %mul3A_111 = arith.muli %add3A_109, %mul3A_110 : i32
      %while3A_112 = arith.constant true
      %while3A_113:2 = scf.while (%while3A_195 = %while3A_94#0, %while3A_196 = %while3A_112) : (i32, i1) -> (i32, i1) {
        scf.condition(%while3A_196) %while3A_195, %while3A_196 : i32, i1
      } do {
      ^bb0(%while3A_195: i32, %while3A_196: i1):
        %get3A = arith.index_cast %while3A_195 : i32 to index
        %get3A_197 = tpu.vector_load %arg7[%get3A] {strides = array<i32>} : memref<16400xi32, #tpu.memory_space<vmem>>, vector<16xi32>,
        %lt3A_198 = vector.broadcast %mul3A_111 : i32 to vector<16xi32>
        %lt3A_199 = arith.cmpi slt, %get3A_197, %lt3A_198 : vector<16xi32>
        %sub3A = vector.broadcast %mul3A_107 : i32 to vector<16xi32>
        %sub3A_200 = arith.subi %get3A_197, %sub3A : vector<16xi32>
        %get3A_201 = arith.index_cast %while3A_195 : i32 to index
        %get3A_202 = tpu.vector_load %arg8[%get3A_201] {strides = array<i32>} : memref<16400xi32, #tpu.memory_space<vmem>>, vector<16xi32>,
        %broadcast_in_dim3A = arith.constant 0 : i32
        %broadcast_in_dim3A_203 = vector.broadcast %broadcast_in_dim3A : i32 to vector<16xi32>
        %add3A_204 = arith.constant 0 : i32
        %add3A_205 = vector.broadcast %add3A_204 : i32 to vector<16xi32>
        %add3A_206 = arith.addi %broadcast_in_dim3A_203, %add3A_205 : vector<16xi32>
        %gather3A = tpu.vector_load_idx %arg12[%add3A_206, %sub3A_200] masked %lt3A_199 : memref<2x2048xf32, #tpu.memory_space<vmem>>[vector<16xi32>, vector<16xi32>], vector<16xf32>, vector<16xi1>
        tpu.vector_store_idx %arg18[%add3A_206, %get3A_202], %gather3A masked %lt3A_199 : memref<2x16384xf32, #tpu.memory_space<vmem>>[vector<16xi32>, vector<16xi32>], vector<16xf32>, vector<16xi1>
        %broadcast_in_dim3A_207 = arith.constant 0 : i32
        %broadcast_in_dim3A_208 = vector.broadcast %broadcast_in_dim3A_207 : i32 to vector<16xi32>
        %add3A_209 = arith.constant 1 : i32
        %add3A_210 = vector.broadcast %add3A_209 : i32 to vector<16xi32>
        %add3A_211 = arith.addi %broadcast_in_dim3A_208, %add3A_210 : vector<16xi32>
        %gather3A_212 = tpu.vector_load_idx %arg12[%add3A_211, %sub3A_200] masked %lt3A_199 : memref<2x2048xf32, #tpu.memory_space<vmem>>[vector<16xi32>, vector<16xi32>], vector<16xf32>, vector<16xi1>
        tpu.vector_store_idx %arg18[%add3A_211, %get3A_202], %gather3A_212 masked %lt3A_199 : memref<2x16384xf32, #tpu.memory_space<vmem>>[vector<16xi32>, vector<16xi32>], vector<16xf32>, vector<16xi1>
        %all_reduce_population_count3A = tpu.all_reduce %lt3A_199 {dim = 0 : i64, kind = #tpu.reduction_kind<sum>} : vector<16xi1> -> vector<16xi32>
        %slice3A = vector.extract_strided_slice %all_reduce_population_count3A {offsets = [0], sizes = [1], strides = [1]} : vector<16xi32> to vector<1xi32>
        %squeeze3A = vector.extract %slice3A[0] : i32 from vector<1xi32>
        %add3A_213 = arith.addi %while3A_195, %squeeze3A : i32
        %eq3A = arith.constant 16 : i32
        %eq3A_214 = arith.cmpi eq, %squeeze3A, %eq3A : i32
        scf.yield %add3A_213, %eq3A_214 : i32, i1
      }
      %lt3A_114 = arith.constant 60 : i32
      %lt3A_115 = arith.cmpi slt, %scan3A_43, %lt3A_114 : i32
      %convert_element_type3A_116 = arith.extui %lt3A_115 : i1 to i32
      %cond3A_117 = arith.constant 0 : i32
      %cond3A_118 = arith.cmpi ne, %convert_element_type3A_116, %cond3A_117 : i32
      scf.if %cond3A_118 {
        %add3A_195 = arith.constant 8 : i32
        %add3A_196 = arith.addi %add3A_101, %add3A_195 : i32
        %mul3A_197 = arith.constant 2048 : i32
        %mul3A_198 = arith.muli %add3A_196, %mul3A_197 : i32
        %dma_start3A_199 = tpu.memref_slice %arg2[%mul3A_2, %mul3A_198] : memref<64x1000000xf32, #tpu.memory_space<hbm>> -> memref<2x2048xf32, #tpu.memory_space<hbm>>
        %dma_start3A_200 = tpu.memref_slice %arg2[%mul3A_2, %mul3A_198] : memref<64x1000000xf32, #tpu.memory_space<hbm>> -> memref<2x2048xf32, #tpu.memory_space<hbm>>
        tpu.enqueue_dma source(%dma_start3A_200 : memref<2x2048xf32, #tpu.memory_space<hbm>>) target(%arg12 : memref<2x2048xf32, #tpu.memory_space<vmem>>) target_semaphore(%arg22 : memref<!tpu.dma_semaphore, #tpu.memory_space<semaphore_mem>>)
      } else {
      }
      %add3A_119 = arith.constant 4 : i32
      %add3A_120 = arith.addi %mul3A_46, %add3A_119 : i32
      %mul3A_121 = arith.constant 2048 : i32
      %mul3A_122 = arith.muli %add3A_120, %mul3A_121 : i32
      %dma_wait3A_123 = tpu.memref_slice %arg2[%mul3A_2, %mul3A_122] : memref<64x1000000xf32, #tpu.memory_space<hbm>> -> memref<2x2048xf32, #tpu.memory_space<hbm>>
      %dma_wait3A_124 = tpu.memref_slice %arg2[%mul3A_2, %mul3A_122] : memref<64x1000000xf32, #tpu.memory_space<hbm>> -> memref<2x2048xf32, #tpu.memory_space<hbm>>
      tpu.wait_dma2 semaphore(%arg23 : memref<!tpu.dma_semaphore, #tpu.memory_space<semaphore_mem>>) src(%dma_wait3A_124 : memref<2x2048xf32, #tpu.memory_space<hbm>>) dst(%arg13 : memref<2x2048xf32, #tpu.memory_space<vmem>>)
      %mul3A_125 = arith.constant 2048 : i32
      %mul3A_126 = arith.muli %add3A_120, %mul3A_125 : i32
      %add3A_127 = arith.constant 1 : i32
      %add3A_128 = arith.addi %add3A_120, %add3A_127 : i32
      %mul3A_129 = arith.constant 2048 : i32
      %mul3A_130 = arith.muli %add3A_128, %mul3A_129 : i32
      %while3A_131 = arith.constant true
      %while3A_132:2 = scf.while (%while3A_195 = %while3A_113#0, %while3A_196 = %while3A_131) : (i32, i1) -> (i32, i1) {
        scf.condition(%while3A_196) %while3A_195, %while3A_196 : i32, i1
      } do {
      ^bb0(%while3A_195: i32, %while3A_196: i1):
        %get3A = arith.index_cast %while3A_195 : i32 to index
        %get3A_197 = tpu.vector_load %arg7[%get3A] {strides = array<i32>} : memref<16400xi32, #tpu.memory_space<vmem>>, vector<16xi32>,
        %lt3A_198 = vector.broadcast %mul3A_130 : i32 to vector<16xi32>
        %lt3A_199 = arith.cmpi slt, %get3A_197, %lt3A_198 : vector<16xi32>
        %sub3A = vector.broadcast %mul3A_126 : i32 to vector<16xi32>
        %sub3A_200 = arith.subi %get3A_197, %sub3A : vector<16xi32>
        %get3A_201 = arith.index_cast %while3A_195 : i32 to index
        %get3A_202 = tpu.vector_load %arg8[%get3A_201] {strides = array<i32>} : memref<16400xi32, #tpu.memory_space<vmem>>, vector<16xi32>,
        %broadcast_in_dim3A = arith.constant 0 : i32
        %broadcast_in_dim3A_203 = vector.broadcast %broadcast_in_dim3A : i32 to vector<16xi32>
        %add3A_204 = arith.constant 0 : i32
        %add3A_205 = vector.broadcast %add3A_204 : i32 to vector<16xi32>
        %add3A_206 = arith.addi %broadcast_in_dim3A_203, %add3A_205 : vector<16xi32>
        %gather3A = tpu.vector_load_idx %arg13[%add3A_206, %sub3A_200] masked %lt3A_199 : memref<2x2048xf32, #tpu.memory_space<vmem>>[vector<16xi32>, vector<16xi32>], vector<16xf32>, vector<16xi1>
        tpu.vector_store_idx %arg18[%add3A_206, %get3A_202], %gather3A masked %lt3A_199 : memref<2x16384xf32, #tpu.memory_space<vmem>>[vector<16xi32>, vector<16xi32>], vector<16xf32>, vector<16xi1>
        %broadcast_in_dim3A_207 = arith.constant 0 : i32
        %broadcast_in_dim3A_208 = vector.broadcast %broadcast_in_dim3A_207 : i32 to vector<16xi32>
        %add3A_209 = arith.constant 1 : i32
        %add3A_210 = vector.broadcast %add3A_209 : i32 to vector<16xi32>
        %add3A_211 = arith.addi %broadcast_in_dim3A_208, %add3A_210 : vector<16xi32>
        %gather3A_212 = tpu.vector_load_idx %arg13[%add3A_211, %sub3A_200] masked %lt3A_199 : memref<2x2048xf32, #tpu.memory_space<vmem>>[vector<16xi32>, vector<16xi32>], vector<16xf32>, vector<16xi1>
        tpu.vector_store_idx %arg18[%add3A_211, %get3A_202], %gather3A_212 masked %lt3A_199 : memref<2x16384xf32, #tpu.memory_space<vmem>>[vector<16xi32>, vector<16xi32>], vector<16xf32>, vector<16xi1>
        %all_reduce_population_count3A = tpu.all_reduce %lt3A_199 {dim = 0 : i64, kind = #tpu.reduction_kind<sum>} : vector<16xi1> -> vector<16xi32>
        %slice3A = vector.extract_strided_slice %all_reduce_population_count3A {offsets = [0], sizes = [1], strides = [1]} : vector<16xi32> to vector<1xi32>
        %squeeze3A = vector.extract %slice3A[0] : i32 from vector<1xi32>
        %add3A_213 = arith.addi %while3A_195, %squeeze3A : i32
        %eq3A = arith.constant 16 : i32
        %eq3A_214 = arith.cmpi eq, %squeeze3A, %eq3A : i32
        scf.yield %add3A_213, %eq3A_214 : i32, i1
      }
      %lt3A_133 = arith.constant 60 : i32
      %lt3A_134 = arith.cmpi slt, %scan3A_43, %lt3A_133 : i32
      %convert_element_type3A_135 = arith.extui %lt3A_134 : i1 to i32
      %cond3A_136 = arith.constant 0 : i32
      %cond3A_137 = arith.cmpi ne, %convert_element_type3A_135, %cond3A_136 : i32
      scf.if %cond3A_137 {
        %add3A_195 = arith.constant 8 : i32
        %add3A_196 = arith.addi %add3A_120, %add3A_195 : i32
        %mul3A_197 = arith.constant 2048 : i32
        %mul3A_198 = arith.muli %add3A_196, %mul3A_197 : i32
        %dma_start3A_199 = tpu.memref_slice %arg2[%mul3A_2, %mul3A_198] : memref<64x1000000xf32, #tpu.memory_space<hbm>> -> memref<2x2048xf32, #tpu.memory_space<hbm>>
        %dma_start3A_200 = tpu.memref_slice %arg2[%mul3A_2, %mul3A_198] : memref<64x1000000xf32, #tpu.memory_space<hbm>> -> memref<2x2048xf32, #tpu.memory_space<hbm>>
        tpu.enqueue_dma source(%dma_start3A_200 : memref<2x2048xf32, #tpu.memory_space<hbm>>) target(%arg13 : memref<2x2048xf32, #tpu.memory_space<vmem>>) target_semaphore(%arg23 : memref<!tpu.dma_semaphore, #tpu.memory_space<semaphore_mem>>)
      } else {
      }
      %add3A_138 = arith.constant 5 : i32
      %add3A_139 = arith.addi %mul3A_46, %add3A_138 : i32
      %mul3A_140 = arith.constant 2048 : i32
      %mul3A_141 = arith.muli %add3A_139, %mul3A_140 : i32
      %dma_wait3A_142 = tpu.memref_slice %arg2[%mul3A_2, %mul3A_141] : memref<64x1000000xf32, #tpu.memory_space<hbm>> -> memref<2x2048xf32, #tpu.memory_space<hbm>>
      %dma_wait3A_143 = tpu.memref_slice %arg2[%mul3A_2, %mul3A_141] : memref<64x1000000xf32, #tpu.memory_space<hbm>> -> memref<2x2048xf32, #tpu.memory_space<hbm>>
      tpu.wait_dma2 semaphore(%arg24 : memref<!tpu.dma_semaphore, #tpu.memory_space<semaphore_mem>>) src(%dma_wait3A_143 : memref<2x2048xf32, #tpu.memory_space<hbm>>) dst(%arg14 : memref<2x2048xf32, #tpu.memory_space<vmem>>)
      %mul3A_144 = arith.constant 2048 : i32
      %mul3A_145 = arith.muli %add3A_139, %mul3A_144 : i32
      %add3A_146 = arith.constant 1 : i32
      %add3A_147 = arith.addi %add3A_139, %add3A_146 : i32
      %mul3A_148 = arith.constant 2048 : i32
      %mul3A_149 = arith.muli %add3A_147, %mul3A_148 : i32
      %while3A_150 = arith.constant true
      %while3A_151:2 = scf.while (%while3A_195 = %while3A_132#0, %while3A_196 = %while3A_150) : (i32, i1) -> (i32, i1) {
        scf.condition(%while3A_196) %while3A_195, %while3A_196 : i32, i1
      } do {
      ^bb0(%while3A_195: i32, %while3A_196: i1):
        %get3A = arith.index_cast %while3A_195 : i32 to index
        %get3A_197 = tpu.vector_load %arg7[%get3A] {strides = array<i32>} : memref<16400xi32, #tpu.memory_space<vmem>>, vector<16xi32>,
        %lt3A_198 = vector.broadcast %mul3A_149 : i32 to vector<16xi32>
        %lt3A_199 = arith.cmpi slt, %get3A_197, %lt3A_198 : vector<16xi32>
        %sub3A = vector.broadcast %mul3A_145 : i32 to vector<16xi32>
        %sub3A_200 = arith.subi %get3A_197, %sub3A : vector<16xi32>
        %get3A_201 = arith.index_cast %while3A_195 : i32 to index
        %get3A_202 = tpu.vector_load %arg8[%get3A_201] {strides = array<i32>} : memref<16400xi32, #tpu.memory_space<vmem>>, vector<16xi32>,
        %broadcast_in_dim3A = arith.constant 0 : i32
        %broadcast_in_dim3A_203 = vector.broadcast %broadcast_in_dim3A : i32 to vector<16xi32>
        %add3A_204 = arith.constant 0 : i32
        %add3A_205 = vector.broadcast %add3A_204 : i32 to vector<16xi32>
        %add3A_206 = arith.addi %broadcast_in_dim3A_203, %add3A_205 : vector<16xi32>
        %gather3A = tpu.vector_load_idx %arg14[%add3A_206, %sub3A_200] masked %lt3A_199 : memref<2x2048xf32, #tpu.memory_space<vmem>>[vector<16xi32>, vector<16xi32>], vector<16xf32>, vector<16xi1>
        tpu.vector_store_idx %arg18[%add3A_206, %get3A_202], %gather3A masked %lt3A_199 : memref<2x16384xf32, #tpu.memory_space<vmem>>[vector<16xi32>, vector<16xi32>], vector<16xf32>, vector<16xi1>
        %broadcast_in_dim3A_207 = arith.constant 0 : i32
        %broadcast_in_dim3A_208 = vector.broadcast %broadcast_in_dim3A_207 : i32 to vector<16xi32>
        %add3A_209 = arith.constant 1 : i32
        %add3A_210 = vector.broadcast %add3A_209 : i32 to vector<16xi32>
        %add3A_211 = arith.addi %broadcast_in_dim3A_208, %add3A_210 : vector<16xi32>
        %gather3A_212 = tpu.vector_load_idx %arg14[%add3A_211, %sub3A_200] masked %lt3A_199 : memref<2x2048xf32, #tpu.memory_space<vmem>>[vector<16xi32>, vector<16xi32>], vector<16xf32>, vector<16xi1>
        tpu.vector_store_idx %arg18[%add3A_211, %get3A_202], %gather3A_212 masked %lt3A_199 : memref<2x16384xf32, #tpu.memory_space<vmem>>[vector<16xi32>, vector<16xi32>], vector<16xf32>, vector<16xi1>
        %all_reduce_population_count3A = tpu.all_reduce %lt3A_199 {dim = 0 : i64, kind = #tpu.reduction_kind<sum>} : vector<16xi1> -> vector<16xi32>
        %slice3A = vector.extract_strided_slice %all_reduce_population_count3A {offsets = [0], sizes = [1], strides = [1]} : vector<16xi32> to vector<1xi32>
        %squeeze3A = vector.extract %slice3A[0] : i32 from vector<1xi32>
        %add3A_213 = arith.addi %while3A_195, %squeeze3A : i32
        %eq3A = arith.constant 16 : i32
        %eq3A_214 = arith.cmpi eq, %squeeze3A, %eq3A : i32
        scf.yield %add3A_213, %eq3A_214 : i32, i1
      }
      %lt3A_152 = arith.constant 60 : i32
      %lt3A_153 = arith.cmpi slt, %scan3A_43, %lt3A_152 : i32
      %convert_element_type3A_154 = arith.extui %lt3A_153 : i1 to i32
      %cond3A_155 = arith.constant 0 : i32
      %cond3A_156 = arith.cmpi ne, %convert_element_type3A_154, %cond3A_155 : i32
      scf.if %cond3A_156 {
        %add3A_195 = arith.constant 8 : i32
        %add3A_196 = arith.addi %add3A_139, %add3A_195 : i32
        %mul3A_197 = arith.constant 2048 : i32
        %mul3A_198 = arith.muli %add3A_196, %mul3A_197 : i32
        %dma_start3A_199 = tpu.memref_slice %arg2[%mul3A_2, %mul3A_198] : memref<64x1000000xf32, #tpu.memory_space<hbm>> -> memref<2x2048xf32, #tpu.memory_space<hbm>>
        %dma_start3A_200 = tpu.memref_slice %arg2[%mul3A_2, %mul3A_198] : memref<64x1000000xf32, #tpu.memory_space<hbm>> -> memref<2x2048xf32, #tpu.memory_space<hbm>>
        tpu.enqueue_dma source(%dma_start3A_200 : memref<2x2048xf32, #tpu.memory_space<hbm>>) target(%arg14 : memref<2x2048xf32, #tpu.memory_space<vmem>>) target_semaphore(%arg24 : memref<!tpu.dma_semaphore, #tpu.memory_space<semaphore_mem>>)
      } else {
      }
      %add3A_157 = arith.constant 6 : i32
      %add3A_158 = arith.addi %mul3A_46, %add3A_157 : i32
      %mul3A_159 = arith.constant 2048 : i32
      %mul3A_160 = arith.muli %add3A_158, %mul3A_159 : i32
      %dma_wait3A_161 = tpu.memref_slice %arg2[%mul3A_2, %mul3A_160] : memref<64x1000000xf32, #tpu.memory_space<hbm>> -> memref<2x2048xf32, #tpu.memory_space<hbm>>
      %dma_wait3A_162 = tpu.memref_slice %arg2[%mul3A_2, %mul3A_160] : memref<64x1000000xf32, #tpu.memory_space<hbm>> -> memref<2x2048xf32, #tpu.memory_space<hbm>>
      tpu.wait_dma2 semaphore(%arg25 : memref<!tpu.dma_semaphore, #tpu.memory_space<semaphore_mem>>) src(%dma_wait3A_162 : memref<2x2048xf32, #tpu.memory_space<hbm>>) dst(%arg15 : memref<2x2048xf32, #tpu.memory_space<vmem>>)
      %mul3A_163 = arith.constant 2048 : i32
      %mul3A_164 = arith.muli %add3A_158, %mul3A_163 : i32
      %add3A_165 = arith.constant 1 : i32
      %add3A_166 = arith.addi %add3A_158, %add3A_165 : i32
      %mul3A_167 = arith.constant 2048 : i32
      %mul3A_168 = arith.muli %add3A_166, %mul3A_167 : i32
      %while3A_169 = arith.constant true
      %while3A_170:2 = scf.while (%while3A_195 = %while3A_151#0, %while3A_196 = %while3A_169) : (i32, i1) -> (i32, i1) {
        scf.condition(%while3A_196) %while3A_195, %while3A_196 : i32, i1
      } do {
      ^bb0(%while3A_195: i32, %while3A_196: i1):
        %get3A = arith.index_cast %while3A_195 : i32 to index
        %get3A_197 = tpu.vector_load %arg7[%get3A] {strides = array<i32>} : memref<16400xi32, #tpu.memory_space<vmem>>, vector<16xi32>,
        %lt3A_198 = vector.broadcast %mul3A_168 : i32 to vector<16xi32>
        %lt3A_199 = arith.cmpi slt, %get3A_197, %lt3A_198 : vector<16xi32>
        %sub3A = vector.broadcast %mul3A_164 : i32 to vector<16xi32>
        %sub3A_200 = arith.subi %get3A_197, %sub3A : vector<16xi32>
        %get3A_201 = arith.index_cast %while3A_195 : i32 to index
        %get3A_202 = tpu.vector_load %arg8[%get3A_201] {strides = array<i32>} : memref<16400xi32, #tpu.memory_space<vmem>>, vector<16xi32>,
        %broadcast_in_dim3A = arith.constant 0 : i32
        %broadcast_in_dim3A_203 = vector.broadcast %broadcast_in_dim3A : i32 to vector<16xi32>
        %add3A_204 = arith.constant 0 : i32
        %add3A_205 = vector.broadcast %add3A_204 : i32 to vector<16xi32>
        %add3A_206 = arith.addi %broadcast_in_dim3A_203, %add3A_205 : vector<16xi32>
        %gather3A = tpu.vector_load_idx %arg15[%add3A_206, %sub3A_200] masked %lt3A_199 : memref<2x2048xf32, #tpu.memory_space<vmem>>[vector<16xi32>, vector<16xi32>], vector<16xf32>, vector<16xi1>
        tpu.vector_store_idx %arg18[%add3A_206, %get3A_202], %gather3A masked %lt3A_199 : memref<2x16384xf32, #tpu.memory_space<vmem>>[vector<16xi32>, vector<16xi32>], vector<16xf32>, vector<16xi1>
        %broadcast_in_dim3A_207 = arith.constant 0 : i32
        %broadcast_in_dim3A_208 = vector.broadcast %broadcast_in_dim3A_207 : i32 to vector<16xi32>
        %add3A_209 = arith.constant 1 : i32
        %add3A_210 = vector.broadcast %add3A_209 : i32 to vector<16xi32>
        %add3A_211 = arith.addi %broadcast_in_dim3A_208, %add3A_210 : vector<16xi32>
        %gather3A_212 = tpu.vector_load_idx %arg15[%add3A_211, %sub3A_200] masked %lt3A_199 : memref<2x2048xf32, #tpu.memory_space<vmem>>[vector<16xi32>, vector<16xi32>], vector<16xf32>, vector<16xi1>
        tpu.vector_store_idx %arg18[%add3A_211, %get3A_202], %gather3A_212 masked %lt3A_199 : memref<2x16384xf32, #tpu.memory_space<vmem>>[vector<16xi32>, vector<16xi32>], vector<16xf32>, vector<16xi1>
        %all_reduce_population_count3A = tpu.all_reduce %lt3A_199 {dim = 0 : i64, kind = #tpu.reduction_kind<sum>} : vector<16xi1> -> vector<16xi32>
        %slice3A = vector.extract_strided_slice %all_reduce_population_count3A {offsets = [0], sizes = [1], strides = [1]} : vector<16xi32> to vector<1xi32>
        %squeeze3A = vector.extract %slice3A[0] : i32 from vector<1xi32>
        %add3A_213 = arith.addi %while3A_195, %squeeze3A : i32
        %eq3A = arith.constant 16 : i32
        %eq3A_214 = arith.cmpi eq, %squeeze3A, %eq3A : i32
        scf.yield %add3A_213, %eq3A_214 : i32, i1
      }
      %lt3A_171 = arith.constant 60 : i32
      %lt3A_172 = arith.cmpi slt, %scan3A_43, %lt3A_171 : i32
      %convert_element_type3A_173 = arith.extui %lt3A_172 : i1 to i32
      %cond3A_174 = arith.constant 0 : i32
      %cond3A_175 = arith.cmpi ne, %convert_element_type3A_173, %cond3A_174 : i32
      scf.if %cond3A_175 {
        %add3A_195 = arith.constant 8 : i32
        %add3A_196 = arith.addi %add3A_158, %add3A_195 : i32
        %mul3A_197 = arith.constant 2048 : i32
        %mul3A_198 = arith.muli %add3A_196, %mul3A_197 : i32
        %dma_start3A_199 = tpu.memref_slice %arg2[%mul3A_2, %mul3A_198] : memref<64x1000000xf32, #tpu.memory_space<hbm>> -> memref<2x2048xf32, #tpu.memory_space<hbm>>
        %dma_start3A_200 = tpu.memref_slice %arg2[%mul3A_2, %mul3A_198] : memref<64x1000000xf32, #tpu.memory_space<hbm>> -> memref<2x2048xf32, #tpu.memory_space<hbm>>
        tpu.enqueue_dma source(%dma_start3A_200 : memref<2x2048xf32, #tpu.memory_space<hbm>>) target(%arg15 : memref<2x2048xf32, #tpu.memory_space<vmem>>) target_semaphore(%arg25 : memref<!tpu.dma_semaphore, #tpu.memory_space<semaphore_mem>>)
      } else {
      }
      %add3A_176 = arith.constant 7 : i32
      %add3A_177 = arith.addi %mul3A_46, %add3A_176 : i32
      %mul3A_178 = arith.constant 2048 : i32
      %mul3A_179 = arith.muli %add3A_177, %mul3A_178 : i32
      %dma_wait3A_180 = tpu.memref_slice %arg2[%mul3A_2, %mul3A_179] : memref<64x1000000xf32, #tpu.memory_space<hbm>> -> memref<2x2048xf32, #tpu.memory_space<hbm>>
      %dma_wait3A_181 = tpu.memref_slice %arg2[%mul3A_2, %mul3A_179] : memref<64x1000000xf32, #tpu.memory_space<hbm>> -> memref<2x2048xf32, #tpu.memory_space<hbm>>
      tpu.wait_dma2 semaphore(%arg26 : memref<!tpu.dma_semaphore, #tpu.memory_space<semaphore_mem>>) src(%dma_wait3A_181 : memref<2x2048xf32, #tpu.memory_space<hbm>>) dst(%arg16 : memref<2x2048xf32, #tpu.memory_space<vmem>>)
      %mul3A_182 = arith.constant 2048 : i32
      %mul3A_183 = arith.muli %add3A_177, %mul3A_182 : i32
      %add3A_184 = arith.constant 1 : i32
      %add3A_185 = arith.addi %add3A_177, %add3A_184 : i32
      %mul3A_186 = arith.constant 2048 : i32
      %mul3A_187 = arith.muli %add3A_185, %mul3A_186 : i32
      %while3A_188 = arith.constant true
      %while3A_189:2 = scf.while (%while3A_195 = %while3A_170#0, %while3A_196 = %while3A_188) : (i32, i1) -> (i32, i1) {
        scf.condition(%while3A_196) %while3A_195, %while3A_196 : i32, i1
      } do {
      ^bb0(%while3A_195: i32, %while3A_196: i1):
        %get3A = arith.index_cast %while3A_195 : i32 to index
        %get3A_197 = tpu.vector_load %arg7[%get3A] {strides = array<i32>} : memref<16400xi32, #tpu.memory_space<vmem>>, vector<16xi32>,
        %lt3A_198 = vector.broadcast %mul3A_187 : i32 to vector<16xi32>
        %lt3A_199 = arith.cmpi slt, %get3A_197, %lt3A_198 : vector<16xi32>
        %sub3A = vector.broadcast %mul3A_183 : i32 to vector<16xi32>
        %sub3A_200 = arith.subi %get3A_197, %sub3A : vector<16xi32>
        %get3A_201 = arith.index_cast %while3A_195 : i32 to index
        %get3A_202 = tpu.vector_load %arg8[%get3A_201] {strides = array<i32>} : memref<16400xi32, #tpu.memory_space<vmem>>, vector<16xi32>,
        %broadcast_in_dim3A = arith.constant 0 : i32
        %broadcast_in_dim3A_203 = vector.broadcast %broadcast_in_dim3A : i32 to vector<16xi32>
        %add3A_204 = arith.constant 0 : i32
        %add3A_205 = vector.broadcast %add3A_204 : i32 to vector<16xi32>
        %add3A_206 = arith.addi %broadcast_in_dim3A_203, %add3A_205 : vector<16xi32>
        %gather3A = tpu.vector_load_idx %arg16[%add3A_206, %sub3A_200] masked %lt3A_199 : memref<2x2048xf32, #tpu.memory_space<vmem>>[vector<16xi32>, vector<16xi32>], vector<16xf32>, vector<16xi1>
        tpu.vector_store_idx %arg18[%add3A_206, %get3A_202], %gather3A masked %lt3A_199 : memref<2x16384xf32, #tpu.memory_space<vmem>>[vector<16xi32>, vector<16xi32>], vector<16xf32>, vector<16xi1>
        %broadcast_in_dim3A_207 = arith.constant 0 : i32
        %broadcast_in_dim3A_208 = vector.broadcast %broadcast_in_dim3A_207 : i32 to vector<16xi32>
        %add3A_209 = arith.constant 1 : i32
        %add3A_210 = vector.broadcast %add3A_209 : i32 to vector<16xi32>
        %add3A_211 = arith.addi %broadcast_in_dim3A_208, %add3A_210 : vector<16xi32>
        %gather3A_212 = tpu.vector_load_idx %arg16[%add3A_211, %sub3A_200] masked %lt3A_199 : memref<2x2048xf32, #tpu.memory_space<vmem>>[vector<16xi32>, vector<16xi32>], vector<16xf32>, vector<16xi1>
        tpu.vector_store_idx %arg18[%add3A_211, %get3A_202], %gather3A_212 masked %lt3A_199 : memref<2x16384xf32, #tpu.memory_space<vmem>>[vector<16xi32>, vector<16xi32>], vector<16xf32>, vector<16xi1>
        %all_reduce_population_count3A = tpu.all_reduce %lt3A_199 {dim = 0 : i64, kind = #tpu.reduction_kind<sum>} : vector<16xi1> -> vector<16xi32>
        %slice3A = vector.extract_strided_slice %all_reduce_population_count3A {offsets = [0], sizes = [1], strides = [1]} : vector<16xi32> to vector<1xi32>
        %squeeze3A = vector.extract %slice3A[0] : i32 from vector<1xi32>
        %add3A_213 = arith.addi %while3A_195, %squeeze3A : i32
        %eq3A = arith.constant 16 : i32
        %eq3A_214 = arith.cmpi eq, %squeeze3A, %eq3A : i32
        scf.yield %add3A_213, %eq3A_214 : i32, i1
      }
      %lt3A_190 = arith.constant 60 : i32
      %lt3A_191 = arith.cmpi slt, %scan3A_43, %lt3A_190 : i32
      %convert_element_type3A_192 = arith.extui %lt3A_191 : i1 to i32
      %cond3A_193 = arith.constant 0 : i32
      %cond3A_194 = arith.cmpi ne, %convert_element_type3A_192, %cond3A_193 : i32
      scf.if %cond3A_194 {
        %add3A_195 = arith.constant 8 : i32
        %add3A_196 = arith.addi %add3A_177, %add3A_195 : i32
        %mul3A_197 = arith.constant 2048 : i32
        %mul3A_198 = arith.muli %add3A_196, %mul3A_197 : i32
        %dma_start3A_199 = tpu.memref_slice %arg2[%mul3A_2, %mul3A_198] : memref<64x1000000xf32, #tpu.memory_space<hbm>> -> memref<2x2048xf32, #tpu.memory_space<hbm>>
        %dma_start3A_200 = tpu.memref_slice %arg2[%mul3A_2, %mul3A_198] : memref<64x1000000xf32, #tpu.memory_space<hbm>> -> memref<2x2048xf32, #tpu.memory_space<hbm>>
        tpu.enqueue_dma source(%dma_start3A_200 : memref<2x2048xf32, #tpu.memory_space<hbm>>) target(%arg16 : memref<2x2048xf32, #tpu.memory_space<vmem>>) target_semaphore(%arg26 : memref<!tpu.dma_semaphore, #tpu.memory_space<semaphore_mem>>)
      } else {
      }
      scf.yield %while3A_189#0 : i32
    }
    %scan3A_39 = arith.constant 61 : i32
    "tpu.region"() ({
      %run_scoped3A = tpu.sem_alloc : memref<!tpu.dma_semaphore, #tpu.memory_space<semaphore_mem>>
      %dma_start3A_43 = arith.constant 0 : i32
      %dma_start3A_44 = arith.constant 0 : i32
      %dma_start3A_45 = tpu.memref_slice %arg9[%dma_start3A_43, %dma_start3A_44] : memref<2x2048xf32, #tpu.memory_space<vmem>> -> memref<2x512xf32, #tpu.memory_space<vmem>>
      %dma_start3A_46 = arith.constant 999424 : i32
      %dma_start3A_47 = tpu.memref_slice %arg2[%mul3A_2, %dma_start3A_46] : memref<64x1000000xf32, #tpu.memory_space<hbm>> -> memref<2x512xf32, #tpu.memory_space<hbm>>
      %dma_start3A_48 = arith.constant 0 : i32
      %dma_start3A_49 = arith.constant 0 : i32
      %dma_start3A_50 = tpu.memref_slice %arg9[%dma_start3A_48, %dma_start3A_49] : memref<2x2048xf32, #tpu.memory_space<vmem>> -> memref<2x512xf32, #tpu.memory_space<vmem>>
      %dma_start3A_51 = arith.constant 999424 : i32
      %dma_start3A_52 = tpu.memref_slice %arg2[%mul3A_2, %dma_start3A_51] : memref<64x1000000xf32, #tpu.memory_space<hbm>> -> memref<2x512xf32, #tpu.memory_space<hbm>>
      tpu.enqueue_dma source(%dma_start3A_52 : memref<2x512xf32, #tpu.memory_space<hbm>>) target(%dma_start3A_50 : memref<2x512xf32, #tpu.memory_space<vmem>>) target_semaphore(%run_scoped3A : memref<!tpu.dma_semaphore, #tpu.memory_space<semaphore_mem>>)
      %dma_wait3A = arith.constant 0 : i32
      %dma_wait3A_53 = arith.constant 0 : i32
      %dma_wait3A_54 = tpu.memref_slice %arg9[%dma_wait3A, %dma_wait3A_53] : memref<2x2048xf32, #tpu.memory_space<vmem>> -> memref<2x512xf32, #tpu.memory_space<vmem>>
      %dma_wait3A_55 = arith.constant 999424 : i32
      %dma_wait3A_56 = tpu.memref_slice %arg2[%mul3A_2, %dma_wait3A_55] : memref<64x1000000xf32, #tpu.memory_space<hbm>> -> memref<2x512xf32, #tpu.memory_space<hbm>>
      %dma_wait3A_57 = arith.constant 0 : i32
      %dma_wait3A_58 = arith.constant 0 : i32
      %dma_wait3A_59 = tpu.memref_slice %arg9[%dma_wait3A_57, %dma_wait3A_58] : memref<2x2048xf32, #tpu.memory_space<vmem>> -> memref<2x512xf32, #tpu.memory_space<vmem>>
      %dma_wait3A_60 = arith.constant 999424 : i32
      %dma_wait3A_61 = tpu.memref_slice %arg2[%mul3A_2, %dma_wait3A_60] : memref<64x1000000xf32, #tpu.memory_space<hbm>> -> memref<2x512xf32, #tpu.memory_space<hbm>>
      tpu.wait_dma2 semaphore(%run_scoped3A : memref<!tpu.dma_semaphore, #tpu.memory_space<semaphore_mem>>) src(%dma_wait3A_61 : memref<2x512xf32, #tpu.memory_space<hbm>>) dst(%dma_wait3A_59 : memref<2x512xf32, #tpu.memory_space<vmem>>)
      tpu.yield
    }) : () -> ()
    %while3A = arith.constant true
    %while3A_40:2 = scf.while (%while3A_43 = %scan3A_38, %while3A_44 = %while3A) : (i32, i1) -> (i32, i1) {
      scf.condition(%while3A_44) %while3A_43, %while3A_44 : i32, i1
    } do {
    ^bb0(%while3A_43: i32, %while3A_44: i1):
      %get3A = arith.index_cast %while3A_43 : i32 to index
      %get3A_45 = tpu.vector_load %arg7[%get3A] {strides = array<i32>} : memref<16400xi32, #tpu.memory_space<vmem>>, vector<16xi32>,
      %lt3A = arith.constant 999936 : i32
      %lt3A_46 = vector.broadcast %lt3A : i32 to vector<16xi32>
      %lt3A_47 = arith.cmpi slt, %get3A_45, %lt3A_46 : vector<16xi32>
      %sub3A = arith.constant 999424 : i32
      %sub3A_48 = vector.broadcast %sub3A : i32 to vector<16xi32>
      %sub3A_49 = arith.subi %get3A_45, %sub3A_48 : vector<16xi32>
      %get3A_50 = arith.index_cast %while3A_43 : i32 to index
      %get3A_51 = tpu.vector_load %arg8[%get3A_50] {strides = array<i32>} : memref<16400xi32, #tpu.memory_space<vmem>>, vector<16xi32>,
      %broadcast_in_dim3A = arith.constant 0 : i32
      %broadcast_in_dim3A_52 = vector.broadcast %broadcast_in_dim3A : i32 to vector<16xi32>
      %add3A_53 = arith.constant 0 : i32
      %add3A_54 = vector.broadcast %add3A_53 : i32 to vector<16xi32>
      %add3A_55 = arith.addi %broadcast_in_dim3A_52, %add3A_54 : vector<16xi32>
      %gather3A = arith.constant 0 : i32
      %gather3A_56 = arith.constant 0 : i32
      %gather3A_57 = tpu.memref_slice %arg9[%gather3A, %gather3A_56] : memref<2x2048xf32, #tpu.memory_space<vmem>> -> memref<2x512xf32, #tpu.memory_space<vmem>>
      %gather3A_58 = tpu.vector_load_idx %gather3A_57[%add3A_55, %sub3A_49] masked %lt3A_47 : memref<2x512xf32, #tpu.memory_space<vmem>>[vector<16xi32>, vector<16xi32>], vector<16xf32>, vector<16xi1>
      tpu.vector_store_idx %arg18[%add3A_55, %get3A_51], %gather3A_58 masked %lt3A_47 : memref<2x16384xf32, #tpu.memory_space<vmem>>[vector<16xi32>, vector<16xi32>], vector<16xf32>, vector<16xi1>
      %broadcast_in_dim3A_59 = arith.constant 0 : i32
      %broadcast_in_dim3A_60 = vector.broadcast %broadcast_in_dim3A_59 : i32 to vector<16xi32>
      %add3A_61 = arith.constant 1 : i32
      %add3A_62 = vector.broadcast %add3A_61 : i32 to vector<16xi32>
      %add3A_63 = arith.addi %broadcast_in_dim3A_60, %add3A_62 : vector<16xi32>
      %gather3A_64 = arith.constant 0 : i32
      %gather3A_65 = arith.constant 0 : i32
      %gather3A_66 = tpu.memref_slice %arg9[%gather3A_64, %gather3A_65] : memref<2x2048xf32, #tpu.memory_space<vmem>> -> memref<2x512xf32, #tpu.memory_space<vmem>>
      %gather3A_67 = tpu.vector_load_idx %gather3A_66[%add3A_63, %sub3A_49] masked %lt3A_47 : memref<2x512xf32, #tpu.memory_space<vmem>>[vector<16xi32>, vector<16xi32>], vector<16xf32>, vector<16xi1>
      tpu.vector_store_idx %arg18[%add3A_63, %get3A_51], %gather3A_67 masked %lt3A_47 : memref<2x16384xf32, #tpu.memory_space<vmem>>[vector<16xi32>, vector<16xi32>], vector<16xf32>, vector<16xi1>
      %all_reduce_population_count3A = tpu.all_reduce %lt3A_47 {dim = 0 : i64, kind = #tpu.reduction_kind<sum>} : vector<16xi1> -> vector<16xi32>
      %slice3A = vector.extract_strided_slice %all_reduce_population_count3A {offsets = [0], sizes = [1], strides = [1]} : vector<16xi32> to vector<1xi32>
      %squeeze3A = vector.extract %slice3A[0] : i32 from vector<1xi32>
      %add3A_68 = arith.addi %while3A_43, %squeeze3A : i32
      %eq3A = arith.constant 16 : i32
      %eq3A_69 = arith.cmpi eq, %squeeze3A, %eq3A : i32
      scf.yield %add3A_68, %eq3A_69 : i32, i1
    }
    "tpu.region"() ({
      %run_scoped3A = tpu.sem_alloc : memref<!tpu.dma_semaphore, #tpu.memory_space<semaphore_mem>>
      %dma_start3A_43 = arith.constant 0 : i32
      %dma_start3A_44 = tpu.memref_slice %arg5[%mul3A_2, %dma_start3A_43] : memref<64x64xf32, #tpu.memory_space<hbm>> -> memref<2x64xf32, #tpu.memory_space<hbm>>
      %dma_start3A_45 = arith.constant 0 : i32
      %dma_start3A_46 = tpu.memref_slice %arg5[%mul3A_2, %dma_start3A_45] : memref<64x64xf32, #tpu.memory_space<hbm>> -> memref<2x64xf32, #tpu.memory_space<hbm>>
      tpu.enqueue_dma source(%dma_start3A_46 : memref<2x64xf32, #tpu.memory_space<hbm>>) target(%arg17 : memref<2x64xf32, #tpu.memory_space<vmem>>) target_semaphore(%run_scoped3A : memref<!tpu.dma_semaphore, #tpu.memory_space<semaphore_mem>>)
      %dma_wait3A = arith.constant 0 : i32
      %dma_wait3A_47 = tpu.memref_slice %arg5[%mul3A_2, %dma_wait3A] : memref<64x64xf32, #tpu.memory_space<hbm>> -> memref<2x64xf32, #tpu.memory_space<hbm>>
      %dma_wait3A_48 = arith.constant 0 : i32
      %dma_wait3A_49 = tpu.memref_slice %arg5[%mul3A_2, %dma_wait3A_48] : memref<64x64xf32, #tpu.memory_space<hbm>> -> memref<2x64xf32, #tpu.memory_space<hbm>>
      tpu.wait_dma2 semaphore(%run_scoped3A : memref<!tpu.dma_semaphore, #tpu.memory_space<semaphore_mem>>) src(%dma_wait3A_49 : memref<2x64xf32, #tpu.memory_space<hbm>>) dst(%arg17 : memref<2x64xf32, #tpu.memory_space<vmem>>)
      tpu.yield
    }) : () -> ()
    %while3A_41 = arith.constant true
    %while3A_42:2 = scf.while (%while3A_43 = %while3A_40#0, %while3A_44 = %while3A_41) : (i32, i1) -> (i32, i1) {
      scf.condition(%while3A_44) %while3A_43, %while3A_44 : i32, i1
    } do {
    ^bb0(%while3A_43: i32, %while3A_44: i1):
      %get3A = arith.index_cast %while3A_43 : i32 to index
      %get3A_45 = tpu.vector_load %arg7[%get3A] {strides = array<i32>} : memref<16400xi32, #tpu.memory_space<vmem>>, vector<16xi32>,
      %lt3A = arith.constant 1000000 : i32
      %lt3A_46 = vector.broadcast %lt3A : i32 to vector<16xi32>
      %lt3A_47 = arith.cmpi slt, %get3A_45, %lt3A_46 : vector<16xi32>
      %sub3A = arith.constant 999936 : i32
      %sub3A_48 = vector.broadcast %sub3A : i32 to vector<16xi32>
      %sub3A_49 = arith.subi %get3A_45, %sub3A_48 : vector<16xi32>
      %get3A_50 = arith.index_cast %while3A_43 : i32 to index
      %get3A_51 = tpu.vector_load %arg8[%get3A_50] {strides = array<i32>} : memref<16400xi32, #tpu.memory_space<vmem>>, vector<16xi32>,
      %broadcast_in_dim3A = arith.constant 0 : i32
      %broadcast_in_dim3A_52 = vector.broadcast %broadcast_in_dim3A : i32 to vector<16xi32>
      %add3A_53 = arith.constant 0 : i32
      %add3A_54 = vector.broadcast %add3A_53 : i32 to vector<16xi32>
      %add3A_55 = arith.addi %broadcast_in_dim3A_52, %add3A_54 : vector<16xi32>
      %gather3A = tpu.vector_load_idx %arg17[%add3A_55, %sub3A_49] masked %lt3A_47 : memref<2x64xf32, #tpu.memory_space<vmem>>[vector<16xi32>, vector<16xi32>], vector<16xf32>, vector<16xi1>
      tpu.vector_store_idx %arg18[%add3A_55, %get3A_51], %gather3A masked %lt3A_47 : memref<2x16384xf32, #tpu.memory_space<vmem>>[vector<16xi32>, vector<16xi32>], vector<16xf32>, vector<16xi1>
      %broadcast_in_dim3A_56 = arith.constant 0 : i32
      %broadcast_in_dim3A_57 = vector.broadcast %broadcast_in_dim3A_56 : i32 to vector<16xi32>
      %add3A_58 = arith.constant 1 : i32
      %add3A_59 = vector.broadcast %add3A_58 : i32 to vector<16xi32>
      %add3A_60 = arith.addi %broadcast_in_dim3A_57, %add3A_59 : vector<16xi32>
      %gather3A_61 = tpu.vector_load_idx %arg17[%add3A_60, %sub3A_49] masked %lt3A_47 : memref<2x64xf32, #tpu.memory_space<vmem>>[vector<16xi32>, vector<16xi32>], vector<16xf32>, vector<16xi1>
      tpu.vector_store_idx %arg18[%add3A_60, %get3A_51], %gather3A_61 masked %lt3A_47 : memref<2x16384xf32, #tpu.memory_space<vmem>>[vector<16xi32>, vector<16xi32>], vector<16xf32>, vector<16xi1>
      %all_reduce_population_count3A = tpu.all_reduce %lt3A_47 {dim = 0 : i64, kind = #tpu.reduction_kind<sum>} : vector<16xi1> -> vector<16xi32>
      %slice3A = vector.extract_strided_slice %all_reduce_population_count3A {offsets = [0], sizes = [1], strides = [1]} : vector<16xi32> to vector<1xi32>
      %squeeze3A = vector.extract %slice3A[0] : i32 from vector<1xi32>
      %add3A_62 = arith.addi %while3A_43, %squeeze3A : i32
      %eq3A = arith.constant 16 : i32
      %eq3A_63 = arith.cmpi eq, %squeeze3A, %eq3A : i32
      scf.yield %add3A_62, %eq3A_63 : i32, i1
    }
    "tpu.region"() ({
      %run_scoped3A = tpu.sem_alloc : memref<!tpu.dma_semaphore, #tpu.memory_space<semaphore_mem>>
      %dma_start3A_43 = arith.constant 0 : i32
      %dma_start3A_44 = tpu.memref_slice %arg6[%mul3A_2, %dma_start3A_43] : memref<64x16384xf32, #tpu.memory_space<hbm>> -> memref<2x16384xf32, #tpu.memory_space<hbm>>
      %dma_start3A_45 = arith.constant 0 : i32
      %dma_start3A_46 = tpu.memref_slice %arg6[%mul3A_2, %dma_start3A_45] : memref<64x16384xf32, #tpu.memory_space<hbm>> -> memref<2x16384xf32, #tpu.memory_space<hbm>>
      tpu.enqueue_dma source(%arg18 : memref<2x16384xf32, #tpu.memory_space<vmem>>) target(%dma_start3A_46 : memref<2x16384xf32, #tpu.memory_space<hbm>>) target_semaphore(%run_scoped3A : memref<!tpu.dma_semaphore, #tpu.memory_space<semaphore_mem>>)
      %dma_wait3A = arith.constant 0 : i32
      %dma_wait3A_47 = tpu.memref_slice %arg6[%mul3A_2, %dma_wait3A] : memref<64x16384xf32, #tpu.memory_space<hbm>> -> memref<2x16384xf32, #tpu.memory_space<hbm>>
      %dma_wait3A_48 = arith.constant 0 : i32
      %dma_wait3A_49 = tpu.memref_slice %arg6[%mul3A_2, %dma_wait3A_48] : memref<64x16384xf32, #tpu.memory_space<hbm>> -> memref<2x16384xf32, #tpu.memory_space<hbm>>
      tpu.wait_dma2 semaphore(%run_scoped3A : memref<!tpu.dma_semaphore, #tpu.memory_space<semaphore_mem>>) src(%arg18 : memref<2x16384xf32, #tpu.memory_space<vmem>>) dst(%dma_wait3A_49 : memref<2x16384xf32, #tpu.memory_space<hbm>>)
      tpu.yield
    }) : () -> ()
    return
  }
}

</mosaic_0001>

<sc_bundles>
// kernel: kernel.3.cloned.1.call-start
scs
__scs_entry_jumppad:
0x0: {  	(pc) =	sbr.rel $0x88, $3  }
0x1: {  	(tag) =	ssettag $0x0;
	lr =	simm.s32 $0x1  }
0x2: {  	[smem:$0x3F9F] =	sst lr;
	_ =	strace $0xD0000000  }
0x3: {  	_ = 	snop  }
0x4: {  	_ = 	snop  }
0x5: {  	_ = 	snop  }
0x6: {  	_ = 	snop  }
0x7: {  	_ = 	snop  }
__scs_overlays_trampoline_lowered:
0x8: {  	[smem:$0x3FAE] =	sst s0  }
0x9: {  	[smem:$0x3FAF] =	sst s1  }
0xa: {  	[smem:$0x3FB0] =	sst s2  }
0xb: {  	[smem:$0x3FB1] =	sst s3  }
0xc: {  	[smem:$0x3FB2] =	sst s4  }
0xd: {  	[smem:$0x3FB3] =	sst s5  }
0xe: {  	[smem:$0x3FB4] =	sst s6  }
0xf: {  	[smem:$0x3FB5] =	sst s7  }
0x10: {  	[smem:$0x3FB6] =	sst s8  }
0x11: {  	[smem:$0x3FB7] =	sst s9;
	s0 =	simm.s32 @!p0 $0x0  }
0x12: {  	s1 =	sld [smem:$0x3F9D];
	s0 =	simm.s32 @p0 $0x1  }
0x13: {  	[smem:$0x3FB8] =	sst s0;
	s0 =	simm.s32 @!p1 $0x0  }
0x14: {  	s2 =	sld [smem:$0x3F9C];
	s0 =	simm.s32 @p1 $0x1  }
0x15: {  	[smem:$0x3FB9] =	sst s0;
	s0 =	simm.s32 @!p2 $0x0  }
0x16: {  	s3 =	sld [smem:$0x3FDB];
	s0 =	simm.s32 @p2 $0x1  }
0x17: {  	s4 =	simm.s32 $0x1BF5;
	[smem:$0x3FBB] =	sst s0  }
0x18: {  	s0 =	sld [smem:$0x3F9E];
	_ =	swait.ge [sflag:s4], $0x0  }
0x19: {  	s7 =	sld [smem:$0x3F9F]  }
0x1a: {  	s8 =	sadd.s32 $0xFFFFE003, lr  }
0x1b: {  	s9 =	sadd.s32 $0xFFFFFEF7, lr;
	s5 =	simm.s32 $0xFFFFFFFF;
	p2 =	slt.u32 s8, $0xFFFFF086  }
0x1c: {  	p1 =	slt.u32 s9, $0xF7A;
	s5 =	simm.s32 @!p2 $0x0  }
0x1d: {  	s5 =	simm.s32 @p1 $0x1;
	p0 =	seq.s32 s7, s2  }
0x1e: {  	s7 =	smul.u32 @!p0 $0xF7A, s2;
	p2 =	seq.s32 @!p0 s5, $0x0  }
0x1f: {  	s9 =	smul.u32 $0xF7A, s1;
	s8 =	simm.s32 @!p0 $0x1BF5;
	p2 =	por !p2, p0  }
0x20: {  	[sflag:s8] =	ssyncset.s32 @!p0 $0xFFFFF086;
	s6 =	sadd.s32 @!p0 s3, s7;
	s7 =	simm.s32 @!p0 $0x108  }
0x21: {  	s3 =	sadd.s32 s3, s9;
	s6 =	sadd.s32 @!p0 $0x88, s6;
	s7 =	simm.s32 @p2 $0x1082  }
0x22: {  	[simem:s7], [sflag:s8] =	dma.local @!p0 [hbm:s6], $0xF7A  }
0x23: {  	s9 =	sor.u32 $0xD0000000, s2;
	s6 =	simm.s32 $0x108;
	_ =	swait.ge @!p0 [sflag:s8], $0x0  }
0x24: {  	s3 =	sadd.s32 $0x88, s3;
	s6 =	simm.s32 @!p1 $0x1082;
	[sflag:s4] =	ssyncset.s32 $0xFFFFF086  }
0x25: {  	[simem:s6], [sflag:s4] =	dma.local [hbm:s3], $0xF7A  }
0x26: {  	[smem:$0x3F9F] =	sst s1;
	(tag) =	ssettag s2;
	_ =	strace s9  }
0x27: {  	s1 =	sld [smem:$0x3FAF]  }
0x28: {  	s2 =	sld [smem:$0x3FB0]  }
0x29: {  	s4 =	sld [smem:$0x3FB2]  }
0x2a: {  	p0 =	seq.s32 s5, $0x0;
	s5 =	sld [smem:$0x3FB3]  }
0x2b: {  	s6 =	sld [smem:$0x3FB4]  }
0x2c: {  	s7 =	sld [smem:$0x3FB5]  }
0x2d: {  	s3 =	simm.s32 $0x108;
	s8 =	sld [smem:$0x3FB6]  }
0x2e: {  	s3 =	simm.s32 @!p0 $0x1082;
	s9 =	sld [smem:$0x3FB7]  }
0x2f: {  	lr =	sadd.s32 s0, s3;
	s0 =	sld [smem:$0x3FAE]  }
0x30: {  	s3 =	sld [smem:$0x3FB1]  }
0x31: {  	[smem:$0x3FBA] =	sst s10  }
0x32: {  	s10 =	sld [smem:$0x3FB8];
	_ =	sdelay $0x3  }
0x33: {  	p0 =	seq.s32 s10, $0x1;
	s10 =	sld [smem:$0x3FBA];
	_ =	sdelay $0x3  }
0x34: {  	[smem:$0x3FBA] =	sst s10  }
0x35: {  	s10 =	sld [smem:$0x3FB9];
	_ =	sdelay $0x3  }
0x36: {  	p1 =	seq.s32 s10, $0x1;
	s10 =	sld [smem:$0x3FBA];
	_ =	sdelay $0x3  }
0x37: {  	[smem:$0x3FBA] =	sst s10  }
0x38: {  	s10 =	sld [smem:$0x3FBB]  }
0x39: {  	_ = 	snop;
	(pc) =	sbr.ind lr, $3  }
0x3a: {  	_ = 	snop  }
0x3b: {  	_ = 	snop  }
0x3c: {  	p2 =	seq.s32 s10, $0x1;
	s10 =	sld [smem:$0x3FBA]  }
0x3d: {  	_ =	shalt  }
0x3e: {  	_ =	shalt  }
0x3f: {  	_ =	shalt  }
0x40: {  	_ =	shalt  }
0x41: {  	_ =	shalt  }
0x42: {  	_ =	shalt  }
0x43: {  	_ =	shalt  }
0x44: {  	_ =	shalt  }
0x45: {  	_ =	shalt  }
0x46: {  	_ =	shalt  }
0x47: {  	_ =	shalt  }
0x48: {  	_ =	shalt  }
0x49: {  	_ =	shalt  }
0x4a: {  	_ =	shalt  }
0x4b: {  	_ =	shalt  }
0x4c: {  	_ =	shalt  }
0x4d: {  	_ =	shalt  }
0x4e: {  	_ =	shalt  }
0x4f: {  	_ =	shalt  }
0x50: {  	_ =	shalt  }
0x51: {  	_ =	shalt  }
0x52: {  	_ =	shalt  }
0x53: {  	_ =	shalt  }
0x54: {  	_ =	shalt  }
0x55: {  	_ =	shalt  }
0x56: {  	_ =	shalt  }
0x57: {  	_ =	shalt  }
0x58: {  	_ =	shalt  }
0x59: {  	_ =	shalt  }
0x5a: {  	_ =	shalt  }
0x5b: {  	_ =	shalt  }
0x5c: {  	_ =	shalt  }
0x5d: {  	_ =	shalt  }
0x5e: {  	_ =	shalt  }
0x5f: {  	_ =	shalt  }
0x60: {  	_ =	shalt  }
0x61: {  	_ =	shalt  }
0x62: {  	_ =	shalt  }
0x63: {  	_ =	shalt  }
0x64: {  	_ =	shalt  }
0x65: {  	_ =	shalt  }
0x66: {  	_ =	shalt  }
0x67: {  	_ =	shalt  }
0x68: {  	_ =	shalt  }
0x69: {  	_ =	shalt  }
0x6a: {  	_ =	shalt  }
0x6b: {  	_ =	shalt  }
0x6c: {  	_ =	shalt  }
0x6d: {  	_ =	shalt  }
0x6e: {  	_ =	shalt  }
0x6f: {  	_ =	shalt  }
0x70: {  	_ =	shalt  }
0x71: {  	_ =	shalt  }
0x72: {  	_ =	shalt  }
0x73: {  	_ =	shalt  }
0x74: {  	_ =	shalt  }
0x75: {  	_ =	shalt  }
0x76: {  	_ =	shalt  }
0x77: {  	_ =	shalt  }
0x78: {  	_ =	shalt  }
0x79: {  	_ =	shalt  }
0x7a: {  	_ =	shalt  }
0x7b: {  	_ =	shalt  }
0x7c: {  	_ =	shalt  }
0x7d: {  	_ =	shalt  }
0x7e: {  	_ =	shalt  }
0x7f: {  	_ =	shalt  }
0x80: {  	_ =	shalt  }
0x81: {  	_ =	shalt  }
0x82: {  	_ =	shalt  }
0x83: {  	_ =	shalt  }
0x84: {  	_ =	shalt  }
0x85: {  	_ =	shalt  }
0x86: {  	_ =	shalt  }
0x87: {  	_ =	shalt  }
.Lfunc_end0:
.L_simem_size_0:
called_computation_lowered:
.L_overlay_start_0:
0x88: {  	s2 =	sld [smem:$0x3FD9]  }
0x89: {  	s3 =	sld [smem:$0x3FFE];
	_ =	sdelay $0x1  }
0x8a: {  	s1 =	srdreg.scid  }
0x8b: {  	s0 =	sand.u32 $0x1, s1  }
0x8c: {  	s17 =	sshll.u32 s0, $0xA;
	s2 =	sadd.s32 s3, s2  }
0x8d: {  	s2 =	sadd.s32 s2, s17  }
0x8e: {  	[smem:$0x3FC6] =	sst s2  }
0x8f: {  	_ = 	snop  }
0x90: {  	s2 =	sld [smem:$0x3FC8]  }
0x91: {  	s18 =	sld [smem:$0x3FD0];
	(tm) =	ssettm $0x1  }
0x92: {  	s4 =	sld [smem:$0x3FFB];
	_ =	sdelay $0x3  }
0x93: {  	_ =	strace s4  }
0x94: {  	s4 =	sld [smem:$0x3FFC];
	_ =	sdelay $0x3  }
0x95: {  	_ =	strace s4  }
0x96: {  	s4 =	sld [smem:$0x3FFD];
	_ =	sdelay $0x3  }
0x97: {  	_ =	strace s4  }
0x98: {  	_ =	strace $0x8FFFFFFF  }
0x99: {  	s19 =	sld [smem:$0x3FDB];
	_ =	sdelay $0x1  }
0x9a: {  	s5 =	simm.s32 $_scs_section_size  }
0x9b: {  	s6 =	simm.s32 $_size__tile_overlayer_lowered;
	s7 =	simm.s32 $_tile_overlayer_lowered  }
0x9c: {  	s22 =	simm.s32 $0x1BFF;
	s21 =	sshll.u32 s7, $0x1;
	s4 =	sadd.s32 s5, s19  }
0x9d: {  	s8 =	simm.s32 $0x0;
	s20 =	sshll.u32 s6, $0x1;
	s6 =	sadd.s32 s21, s4  }
0x9e: {  	[timem:s8], [sflag:s22] =	dma.local [hbm:s6], s20  }
0x9f: {  	_ =	swait.ge [sflag:s22], s20  }
0xa0: {  	s5 =	ssub.s32 $0x0, s20;
	[sflag:s22] =	ssyncset.done $0x0  }
0xa1: {  	[sflag:s22] =	ssyncadd.s32 s5;
	_ =	sdelay $0x1  }
0xa2: {  	s23 =	simm.s32 $0x1B8B  }
0xa3: {  	_ =	swait.ge [sflag:s23], $0x1  }
0xa4: {  	[sflag:s23] =	ssyncset.done $0x0  }
0xa5: {  	s25 =	simm.s32 $0x1B8E;
	s24 =	sld [smem:$0x3FFE];
	[sflag:s23] =	ssyncadd.s32 $0xFFFFFFFF  }
0xa6: {  	s26 =	simm.s32 $execute0_lowered;
	[smem:$0x3FD2] =	sst s25  }
0xa7: {  	s6 =	sshll.u32 s26, $0x1;
	_ =	strace $0x80000046;
	[dreg:$0x1] =	wrdreg $0xFFFFFFFF  }
0xa8: {  	s28 =	simm.s32 $_size_execute0_lowered;
	s4 =	sadd.s32 s4, s6;
	[dreg:$0x0] =	wrdreg $0x0  }
0xa9: {  	s6 =	sshll.u32 s28, $0x1;
	[dreg:$0x2] =	wrdreg s4  }
0xaa: {  	[dreg:$0x3] =	wrdreg s6  }
0xab: {  	[dreg:$0x4] =	wrdreg $0xC0  }
0xac: {  	_ =	task [dreg:s8], $0x5FFFF  }
0xad: {  	[dreg:$0x1] =	wrdreg $0xFFFFFFFF  }
0xae: {  	[dreg:$0x0] =	wrdreg $0x60  }
0xaf: {  	[dreg:$0x2] =	wrdreg s2  }
0xb0: {  	[dreg:$0x3] =	wrdreg s24  }
0xb1: {  	[dreg:$0x4] =	wrdreg s18  }
0xb2: {  	[dreg:$0x5] =	wrdreg $0x9  }
0xb3: {  	_ =	task.clear_ibuf [dreg:s8], $0x6FFFF;
	_ =	strace $0x90000046  }
0xb4: {  	s29 =	simm.s32 $0x9;
	_ =	strace $0x80000048  }
0xb5: {  	_ =	swait.ge [sflag:s29], $0x1  }
0xb6: {  	[sflag:s29] =	ssyncadd.s32 $0xFFFFFFFF  }
0xb7: {  	_ =	strace $0x90000048  }
0xb8: {  	_ =	sfence  }
0xb9: {  	s30 =	sld [smem:$0x0];
	_ =	sdelay $0x2  }
0xba: {  	s31 =	sshll.u32 s1, $0xD;
	s1 =	sshrl.u32 s1, $0x2  }
0xbb: {  	s3 =	sand.u32 $0x4000, s31;
	s1 =	sadd.s32 s1, s30  }
0xbc: {  	s0 =	sor.u32 s3, s0;
	s1 =	sshll.u32 s1, $0x11  }
0xbd: {  	s0 =	sor.u32 s1, s0  }
0xbe: {  	s0 =	sadd.s32 $0x8F2B, s0  }
0xbf: {  	[sflag:s0] =	ssyncadd.remote.s32 $0x1  }
0xc0: {  	_ =	sfence.sel $0xFFFF  }
0xc1: {  	[dreg:$0x0] =	wrdreg $0xFFFFFFFF;
	(pc) =	sbr.abs _section_cstart, $3  }
0xc2: {  	[dreg:$0x1] =	wrdreg $0xFFFFFFFF  }
0xc3: {  	_ =	task.clear_ibuf [dreg:s8], $0x2FFFF;
	_ =	strace $0x9FFFFFFF  }
0xc4: {  	(tm) =	ssettm $0x7FFFFFFF  }
0xc5: {  	_ =	shalt  }
tec
execute0_lowered:
.L_overlay_start_1:
0x0: {  	(tag) =	ssettag $0x1  }
0x1: {  	s1 =	rddreg [dreg:$0x0]  }
0x2: {  	s0 =	rddreg [dreg:$0x1]  }
0x3: {  	s2 =	rddreg [dreg:$0x2];
	s15 =	simm.s32 $0x0;
	s3 =	srdreg.scid  }
0x4: {  	s5 =	stileid.u32;
	s31 =	simm.s32 $0x8100;
	s28 =	simm.s32 $0xB100  }
0x5: {  	[smem:$0x7FF] =	sst s15;
	s3 =	sand.u32 $0x1, s3;
	s4 =	sshll.u32 s5, $0x9  }
0x6: {  	s5 =	sshrl.u32 s5, $0x1;
	s22 =	sadd.s32 $0x400, s0;
	s23 =	sadd.s32 $0xE00, s0  }
0x7: {  	s6 =	sshll.u32 s3, $0x8;
	s7 =	smul.u32 $0x7A1400, s5;
	s4 =	sand.u32 $0x200, s4  }
0x8: {  	_ =	strace $0x80000047;
	[dreg:$0x4] =	wrdreg s22;
	s3 =	ssub.s32 $0x2, s3  }
0x9: {  	[dreg:$0x5] =	wrdreg s23;
	s22 =	sshll.u32 s5, $0xA;
	s4 =	sor.u32 s6, s4  }
0xa: {  	s5 =	sshll.u32 s5, $0x11;
	s24 =	sshrl.u32 s3, $0x1;
	s6 =	sor.u32 s7, s4  }
0xb: {  	s3 =	ssub.s32 s3, s24;
	s8 =	sadd.s32 $0x4000, s6;
	s25 =	sshrl.u32 s6, $0x3  }
0xc: {  	s29 =	sadd.s32 $0x8000, s6;
	s30 =	sadd.s32 $0xC000, s6;
	s9 =	sadd.s32 $0x10000, s6  }
0xd: {  	s12 =	sadd.s32 $0x14000, s6;
	s13 =	sadd.s32 $0x18000, s6;
	s14 =	sadd.s32 $0x1C000, s6  }
0xe: {  	s19 =	sadd.s32 $0x20000, s6;
	s20 =	sadd.s32 $0x24000, s6;
	s21 =	sadd.s32 $0x28000, s6  }
0xf: {  	s23 =	sadd.s32 $0x7A0000, s6;
	s8 =	sshrl.u32 s8, $0x3;
	[dreg:$0xe] =	wrdreg s19  }
0x10: {  	s7 =	sadd.s32 s1, s25;
	s10 =	sshrl.u32 s9, $0x3;
	[dreg:$0xf] =	wrdreg s20  }
0x11: {  	s16 =	sshrl.u32 s13, $0x3;
	s17 =	sshrl.u32 s14, $0x3;
	[dreg:$0x10] =	wrdreg s21  }
0x12: {  	s20 =	sadd.s32 $0x34000, s6;
	s25 =	sshrl.u32 s23, $0x3;
	s23 =	simm.s32 $0x100  }
0x13: {  	s9 =	simm.s32 $0x10200;
	s13 =	simm.s32 $0x5;
	s19 =	simm.s32 $0x6  }
0x14: {  	s21 =	simm.s32 $0x7;
	[dreg:$0x6] =	wrdreg s7;
	s26 =	sadd.s32 s1, s8  }
0x15: {  	s14 =	simm.s32 $0x0;
	s11 =	sadd.s32 s1, s10;
	[dreg:$0x7] =	wrdreg s26  }
0x16: {  	s7 =	sshrl.u32 s29, $0x3;
	s18 =	sadd.s32 s1, s17;
	[dreg:$0xa] =	wrdreg s11  }
0x17: {  	s8 =	sshrl.u32 s30, $0x3;
	s29 =	sadd.s32 s1, s25;
	[dreg:$0xd] =	wrdreg s18  }
0x18: {  	s17 =	sadd.s32 $0x2C000, s6;
	s30 =	smax.u32 s3, $0x1;
	[dreg:$0x14] =	wrdreg s29  }
0x19: {  	s10 =	simm.s32 $0x2;
	s7 =	sadd.s32 s1, s7;
	[dreg:$0x15] =	wrdreg s30  }
0x1a: {  	s25 =	simm.s32 $0x10100;
	s26 =	sadd.s32 $0x3C000, s6;
	[dreg:$0x8] =	wrdreg s7  }
0x1b: {  	s18 =	sadd.s32 $0x30000, s6;
	s7 =	sadd.s32 s1, s8;
	[dreg:$0x13] =	wrdreg s26  }
0x1c: {  	s11 =	simm.s32 $0x3;
	[dreg:$0x9] =	wrdreg s7;
	s7 =	sshrl.u32 s12, $0x3  }
0x1d: {  	s26 =	simm.s32 $0x400;
	s8 =	simm.s32 $0x1;
	s7 =	sadd.s32 s1, s7  }
0x1e: {  	s12 =	simm.s32 $0x4;
	[dreg:$0xb] =	wrdreg s7;
	s7 =	sadd.s32 s1, s16  }
0x1f: {  	s16 =	simm.s32 $0x9;
	[dreg:$0xc] =	wrdreg s7;
	s7 =	sor.u32 s22, s4  }
0x20: {  	s4 =	sor.u32 s5, s4;
	s22 =	sadd.s32 $0x38000, s6;
	s5 =	simm.s32 $0xD100  }
0x21: {  	s6 =	simm.s32 $0xE100;
	s7 =	sshrl.u32 s7, $0x3;
	s24 =	sshrl.u32 s4, $0x3  }
0x22: {  	s4 =	simm.s32 $0xC100;
	s0 =	sadd.s32 s0, s7;
	s7 =	simm.s32 $0xF100  }
0x23: {  	[dreg:$0x11] =	wrdreg s0;
	s0 =	sadd.s32 s2, s24;
	s2 =	simm.s32 $0xA100  }
0x24: {  	s24 =	simm.s32 $0x8;
	[dreg:$0x12] =	wrdreg s0;
	s0 =	simm.s32 $0x9100  }
.LBB2_1:
0x25: {  	[dreg:$0x16] =	wrdreg s14  }
0x26: {  	s3 =	rddreg [dreg:$0x4]  }
0x27: {  	[tilespmem:s15], [sflag:$0x9] =	stream.linear.gather [hbm4b:s3+s15], $0x4080, $0x38;
	[tilespmem:$0x18200] =	vst v63  }
0x28: {  	_ =	swait.ge [sflag:s16], $0x4080  }
0x29: {  	[sflag:s16] =	ssyncset.done $0x0  }
0x2a: {  	s30 =	simm.s32 $0x4080;
	s29 =	rddreg [dreg:$0x5];
	[sflag:s16] =	ssyncadd.s32 $0xFFFFBF80  }
0x2b: {  	[tilespmem:s30], [sflag:$0x9] =	stream.linear.gather [hbm4b:s29+s15], $0x4080, $0x38;
	[tilespmem:$0x18200] =	vst v63  }
0x2c: {  	_ =	swait.ge [sflag:s16], $0x4080  }
0x2d: {  	[sflag:s16] =	ssyncset.done $0x0  }
0x2e: {  	[sflag:s16] =	ssyncadd.s32 $0xFFFFBF80;
	s16 =	rddreg [dreg:$0x6]  }
0x2f: {  	[tilespmem:s31], [sflag:$0x1] =	stream.strided.gather [hbm4b:s16+s23], $0x1000, s26, s23, $0x38;
	[tilespmem:$0x18200] =	vst v63  }
0x30: {  	s29 =	rddreg [dreg:$0x7]  }
0x31: {  	[tilespmem:s0], [sflag:$0x2] =	stream.strided.gather [hbm4b:s29+s23], $0x1000, s26, s23, $0x38;
	[tilespmem:$0x18200] =	vst v63  }
0x32: {  	s30 =	rddreg [dreg:$0x8]  }
0x33: {  	[tilespmem:s2], [sflag:$0x3] =	stream.strided.gather [hbm4b:s30+s23], $0x1000, s26, s23, $0x38;
	[tilespmem:$0x18200] =	vst v63  }
0x34: {  	s14 =	rddreg [dreg:$0x9]  }
0x35: {  	[tilespmem:s28], [sflag:$0x4] =	stream.strided.gather [hbm4b:s14+s23], $0x1000, s26, s23, $0x38;
	[tilespmem:$0x18200] =	vst v63  }
0x36: {  	s15 =	rddreg [dreg:$0xa]  }
0x37: {  	[tilespmem:s4], [sflag:$0x5] =	stream.strided.gather [hbm4b:s15+s23], $0x1000, s26, s23, $0x38;
	[tilespmem:$0x18200] =	vst v63  }
0x38: {  	s16 =	rddreg [dreg:$0xb]  }
0x39: {  	[tilespmem:s5], [sflag:$0x6] =	stream.strided.gather [hbm4b:s16+s23], $0x1000, s26, s23, $0x38;
	[tilespmem:$0x18200] =	vst v63  }
0x3a: {  	s29 =	rddreg [dreg:$0xc]  }
0x3b: {  	[tilespmem:s6], [sflag:$0x7] =	stream.strided.gather [hbm4b:s29+s23], $0x1000, s26, s23, $0x38;
	[tilespmem:$0x18200] =	vst v63  }
0x3c: {  	s30 =	rddreg [dreg:$0xd]  }
0x3d: {  	[tilespmem:s7], [sflag:$0x8] =	stream.strided.gather [hbm4b:s30+s23], $0x1000, s26, s23, $0x38;
	[tilespmem:$0x18200] =	vst v63  }
0x3e: {  	s3 =	simm.s32 $0x0;
	s26 =	simm.s32 $0x0  }
.LBB2_2:
0x3f: {  	s29 =	sshll.u32 s26, $0xE;
	_ =	swait.ge [sflag:s8], $0x1000  }
0x40: {  	[sflag:s8] =	ssyncset.done $0x0;
	s30 =	sor.u32 $0x800, s29  }
0x41: {  	v1 =	vmov s29;
	[sflag:s8] =	ssyncadd.s32 $0xFFFFF000;
	v0 =	vmov s30  }
.LBB2_3:
0x42: {  	v2 =	vld [tilespmem:s3+$0x0];
	_ =	sdelay $0x4  }
0x43: {  	vm0 =	vlt.s32 v2, v0  }
0x44: {  	v4 =	vmpcnt.ones.xlane vm0;
	_ =	sdelay $0x1  }
0x45: {  	(v2sf) =	vpush v4, $0x0;
	_ =	sdelay $0x1  }
0x46: {  	v3 =	vsub.s32 v2, v1  }
0x47: {  	v5 =	vld [tilespmem:s3+$0x4080];
	v3 =	vshll.u32 v3, $0x1  }
0x48: {  	v2 =	vand.u32 $0x7F, v2;
	v3 =	vand.u32 $0xFFFFFF00, v3  }
0x49: {  	v2 =	vor.u32 v2, v3;
	_ =	sdelay $0x2  }
0x4a: {  	v3 =	vshll.u32 v5, $0x1  }
0x4b: {  	v62 =	vand.u32 $0x7F, v5;
	v3 =	vand.u32 $0xFFFFFF00, v3  }
0x4c: {  	v3 =	vor.u32 v62, v3;
	v63 =	vld.idx.msk [tilespmem:v2+s31+$0x0], vm0  }
0x4d: {  	v2 =	vor.u32 $0x80, v2;
	_ =	sdelay $0x3  }
0x4e: {  	[tilespmem:v3+s9+$0x0] =	vst.idx.msk vm0, v63;
	s30 =	spop (v2sf)  }
0x4f: {  	v3 =	vor.u32 $0x80, v3;
	v2 =	vld.idx.msk [tilespmem:v2+s31+$0x0], vm0;
	p0 =	seq.s32 s30, $0x10  }
.Ltmp0:
0x50: {  	_ = 	snop;
	(pc) =	sbr.rel @p0 .LBB2_3-.Ltmp0, $2  }
0x51: {  	_ =	sdelay $0x2  }
0x52: {  	[tilespmem:v3+s9+$0x0] =	vst.idx.msk vm0, v2;
	s3 =	sadd.s32 s3, s30  }
0x53: {  	s30 =	sshll.u32 s26, $0x11;
	p0 =	seq.s32 s26, $0x3C;
	s14 =	rddreg [dreg:$0xe]  }
0x54: {  	s14 =	sadd.s32 @!p0 s30, s14  }
0x55: {  	s15 =	simm.s32 @!p0 $0x100;
	s14 =	sshrl.u32 @!p0 s14, $0x3  }
0x56: {  	s16 =	simm.s32 @!p0 $0x400;
	s23 =	simm.s32 @!p0 $0x8100;
	s14 =	sadd.s32 @!p0 s1, s14  }
0x57: {  	[tilespmem:s23], [sflag:$0x1] =	stream.strided.gather @!p0 [hbm4b:s14+s15], $0x1000, s16, s15, $0x38;
	[tilespmem:$0x18200] =	vst v63  }
0x58: {  	_ =	swait.ge [sflag:s10], $0x1000  }
0x59: {  	s23 =	sor.u32 $0x1000, s29;
	[sflag:s10] =	ssyncset.done $0x0  }
0x5a: {  	v1 =	vmov s23;
	[sflag:s10] =	ssyncadd.s32 $0xFFFFF000  }
.LBB2_5:
0x5b: {  	v2 =	vld [tilespmem:s3+$0x0];
	_ =	sdelay $0x4  }
0x5c: {  	vm0 =	vlt.s32 v2, v1  }
0x5d: {  	v4 =	vmpcnt.ones.xlane vm0;
	_ =	sdelay $0x1  }
0x5e: {  	(v2sf) =	vpush v4, $0x0;
	_ =	sdelay $0x1  }
0x5f: {  	v3 =	vsub.s32 v2, v0  }
0x60: {  	v5 =	vld [tilespmem:s3+$0x4080];
	v3 =	vshll.u32 v3, $0x1  }
0x61: {  	v2 =	vand.u32 $0x7F, v2;
	v3 =	vand.u32 $0xFFFFFF00, v3  }
0x62: {  	v2 =	vor.u32 v2, v3;
	_ =	sdelay $0x2  }
0x63: {  	v3 =	vshll.u32 v5, $0x1  }
0x64: {  	v62 =	vand.u32 $0x7F, v5;
	v3 =	vand.u32 $0xFFFFFF00, v3  }
0x65: {  	v3 =	vor.u32 v62, v3;
	v63 =	vld.idx.msk [tilespmem:v2+s0+$0x0], vm0  }
0x66: {  	v2 =	vor.u32 $0x80, v2;
	_ =	sdelay $0x3  }
0x67: {  	[tilespmem:v3+s9+$0x0] =	vst.idx.msk vm0, v63;
	s14 =	spop (v2sf)  }
0x68: {  	v3 =	vor.u32 $0x80, v3;
	v2 =	vld.idx.msk [tilespmem:v2+s0+$0x0], vm0;
	p1 =	seq.s32 s14, $0x10  }
.Ltmp1:
0x69: {  	_ = 	snop;
	(pc) =	sbr.rel @p1 .LBB2_5-.Ltmp1, $2  }
0x6a: {  	_ =	sdelay $0x2  }
0x6b: {  	[tilespmem:v3+s9+$0x0] =	vst.idx.msk vm0, v2;
	s3 =	sadd.s32 s3, s14  }
0x6c: {  	s14 =	rddreg [dreg:$0xf]  }
0x6d: {  	s14 =	sadd.s32 @!p0 s30, s14  }
0x6e: {  	s15 =	simm.s32 @!p0 $0x100;
	s14 =	sshrl.u32 @!p0 s14, $0x3  }
0x6f: {  	s16 =	simm.s32 @!p0 $0x400;
	s23 =	simm.s32 @!p0 $0x9100;
	s14 =	sadd.s32 @!p0 s1, s14  }
0x70: {  	[tilespmem:s23], [sflag:$0x2] =	stream.strided.gather @!p0 [hbm4b:s14+s15], $0x1000, s16, s15, $0x38;
	[tilespmem:$0x18200] =	vst v63  }
0x71: {  	_ =	swait.ge [sflag:s11], $0x1000  }
0x72: {  	s23 =	sor.u32 $0x1800, s29;
	[sflag:s11] =	ssyncset.done $0x0  }
0x73: {  	v0 =	vmov s23;
	[sflag:s11] =	ssyncadd.s32 $0xFFFFF000  }
.LBB2_7:
0x74: {  	v2 =	vld [tilespmem:s3+$0x0];
	_ =	sdelay $0x4  }
0x75: {  	vm0 =	vlt.s32 v2, v0  }
0x76: {  	v4 =	vmpcnt.ones.xlane vm0;
	_ =	sdelay $0x1  }
0x77: {  	(v2sf) =	vpush v4, $0x0;
	_ =	sdelay $0x1  }
0x78: {  	v3 =	vsub.s32 v2, v1  }
0x79: {  	v5 =	vld [tilespmem:s3+$0x4080];
	v3 =	vshll.u32 v3, $0x1  }
0x7a: {  	v2 =	vand.u32 $0x7F, v2;
	v3 =	vand.u32 $0xFFFFFF00, v3  }
0x7b: {  	v2 =	vor.u32 v2, v3;
	_ =	sdelay $0x2  }
0x7c: {  	v3 =	vshll.u32 v5, $0x1  }
0x7d: {  	v62 =	vand.u32 $0x7F, v5;
	v3 =	vand.u32 $0xFFFFFF00, v3  }
0x7e: {  	v3 =	vor.u32 v62, v3;
	v63 =	vld.idx.msk [tilespmem:v2+s2+$0x0], vm0  }
0x7f: {  	v2 =	vor.u32 $0x80, v2;
	_ =	sdelay $0x3  }
0x80: {  	[tilespmem:v3+s9+$0x0] =	vst.idx.msk vm0, v63;
	s14 =	spop (v2sf)  }
0x81: {  	v3 =	vor.u32 $0x80, v3;
	v2 =	vld.idx.msk [tilespmem:v2+s2+$0x0], vm0;
	p1 =	seq.s32 s14, $0x10  }
.Ltmp2:
0x82: {  	_ = 	snop;
	(pc) =	sbr.rel @p1 .LBB2_7-.Ltmp2, $2  }
0x83: {  	_ =	sdelay $0x2  }
0x84: {  	[tilespmem:v3+s9+$0x0] =	vst.idx.msk vm0, v2;
	s3 =	sadd.s32 s3, s14  }
0x85: {  	s14 =	rddreg [dreg:$0x10]  }
0x86: {  	s14 =	sadd.s32 @!p0 s30, s14  }
0x87: {  	s15 =	simm.s32 @!p0 $0x100;
	s14 =	sshrl.u32 @!p0 s14, $0x3  }
0x88: {  	s16 =	simm.s32 @!p0 $0x400;
	s23 =	simm.s32 @!p0 $0xA100;
	s14 =	sadd.s32 @!p0 s1, s14  }
0x89: {  	[tilespmem:s23], [sflag:$0x3] =	stream.strided.gather @!p0 [hbm4b:s14+s15], $0x1000, s16, s15, $0x38;
	[tilespmem:$0x18200] =	vst v63  }
0x8a: {  	_ =	swait.ge [sflag:s12], $0x1000  }
0x8b: {  	s23 =	sor.u32 $0x2000, s29;
	[sflag:s12] =	ssyncset.done $0x0  }
0x8c: {  	v1 =	vmov s23;
	[sflag:s12] =	ssyncadd.s32 $0xFFFFF000  }
.LBB2_9:
0x8d: {  	v2 =	vld [tilespmem:s3+$0x0];
	_ =	sdelay $0x4  }
0x8e: {  	vm0 =	vlt.s32 v2, v1  }
0x8f: {  	v4 =	vmpcnt.ones.xlane vm0;
	_ =	sdelay $0x1  }
0x90: {  	(v2sf) =	vpush v4, $0x0;
	_ =	sdelay $0x1  }
0x91: {  	v3 =	vsub.s32 v2, v0  }
0x92: {  	v5 =	vld [tilespmem:s3+$0x4080];
	v3 =	vshll.u32 v3, $0x1  }
0x93: {  	v2 =	vand.u32 $0x7F, v2;
	v3 =	vand.u32 $0xFFFFFF00, v3  }
0x94: {  	v2 =	vor.u32 v2, v3;
	_ =	sdelay $0x2  }
0x95: {  	v3 =	vshll.u32 v5, $0x1  }
0x96: {  	v62 =	vand.u32 $0x7F, v5;
	v3 =	vand.u32 $0xFFFFFF00, v3  }
0x97: {  	v3 =	vor.u32 v62, v3;
	v63 =	vld.idx.msk [tilespmem:v2+s28+$0x0], vm0  }
0x98: {  	v2 =	vor.u32 $0x80, v2;
	_ =	sdelay $0x3  }
0x99: {  	[tilespmem:v3+s9+$0x0] =	vst.idx.msk vm0, v63;
	s14 =	spop (v2sf)  }
0x9a: {  	v3 =	vor.u32 $0x80, v3;
	v2 =	vld.idx.msk [tilespmem:v2+s28+$0x0], vm0;
	p1 =	seq.s32 s14, $0x10  }
.Ltmp3:
0x9b: {  	_ = 	snop;
	(pc) =	sbr.rel @p1 .LBB2_9-.Ltmp3, $2  }
0x9c: {  	_ =	sdelay $0x2  }
0x9d: {  	[tilespmem:v3+s9+$0x0] =	vst.idx.msk vm0, v2;
	s3 =	sadd.s32 s3, s14  }
0x9e: {  	s14 =	sadd.s32 @!p0 s30, s17  }
0x9f: {  	s15 =	simm.s32 @!p0 $0x100;
	s14 =	sshrl.u32 @!p0 s14, $0x3  }
0xa0: {  	s16 =	simm.s32 @!p0 $0x400;
	s23 =	simm.s32 @!p0 $0xB100;
	s14 =	sadd.s32 @!p0 s1, s14  }
0xa1: {  	[tilespmem:s23], [sflag:$0x4] =	stream.strided.gather @!p0 [hbm4b:s14+s15], $0x1000, s16, s15, $0x38;
	[tilespmem:$0x18200] =	vst v63  }
0xa2: {  	_ =	swait.ge [sflag:s13], $0x1000  }
0xa3: {  	s23 =	sor.u32 $0x2800, s29;
	[sflag:s13] =	ssyncset.done $0x0  }
0xa4: {  	v0 =	vmov s23;
	[sflag:s13] =	ssyncadd.s32 $0xFFFFF000  }
.LBB2_11:
0xa5: {  	v2 =	vld [tilespmem:s3+$0x0];
	_ =	sdelay $0x4  }
0xa6: {  	vm0 =	vlt.s32 v2, v0  }
0xa7: {  	v4 =	vmpcnt.ones.xlane vm0;
	_ =	sdelay $0x1  }
0xa8: {  	(v2sf) =	vpush v4, $0x0;
	_ =	sdelay $0x1  }
0xa9: {  	v3 =	vsub.s32 v2, v1  }
0xaa: {  	v5 =	vld [tilespmem:s3+$0x4080];
	v3 =	vshll.u32 v3, $0x1  }
0xab: {  	v2 =	vand.u32 $0x7F, v2;
	v3 =	vand.u32 $0xFFFFFF00, v3  }
0xac: {  	v2 =	vor.u32 v2, v3;
	_ =	sdelay $0x2  }
0xad: {  	v3 =	vshll.u32 v5, $0x1  }
0xae: {  	v62 =	vand.u32 $0x7F, v5;
	v3 =	vand.u32 $0xFFFFFF00, v3  }
0xaf: {  	v3 =	vor.u32 v62, v3;
	v63 =	vld.idx.msk [tilespmem:v2+s4+$0x0], vm0  }
0xb0: {  	v2 =	vor.u32 $0x80, v2;
	_ =	sdelay $0x3  }
0xb1: {  	[tilespmem:v3+s9+$0x0] =	vst.idx.msk vm0, v63;
	s14 =	spop (v2sf)  }
0xb2: {  	v3 =	vor.u32 $0x80, v3;
	v2 =	vld.idx.msk [tilespmem:v2+s4+$0x0], vm0;
	p1 =	seq.s32 s14, $0x10  }
.Ltmp4:
0xb3: {  	_ = 	snop;
	(pc) =	sbr.rel @p1 .LBB2_11-.Ltmp4, $2  }
0xb4: {  	_ =	sdelay $0x2  }
0xb5: {  	[tilespmem:v3+s9+$0x0] =	vst.idx.msk vm0, v2;
	s3 =	sadd.s32 s3, s14  }
0xb6: {  	s14 =	sadd.s32 @!p0 s30, s18  }
0xb7: {  	s15 =	simm.s32 @!p0 $0x100;
	s14 =	sshrl.u32 @!p0 s14, $0x3  }
0xb8: {  	s16 =	simm.s32 @!p0 $0x400;
	s23 =	simm.s32 @!p0 $0xC100;
	s14 =	sadd.s32 @!p0 s1, s14  }
0xb9: {  	[tilespmem:s23], [sflag:$0x5] =	stream.strided.gather @!p0 [hbm4b:s14+s15], $0x1000, s16, s15, $0x38;
	[tilespmem:$0x18200] =	vst v63  }
0xba: {  	_ =	swait.ge [sflag:s19], $0x1000  }
0xbb: {  	s23 =	sor.u32 $0x3000, s29;
	[sflag:s19] =	ssyncset.done $0x0  }
0xbc: {  	v1 =	vmov s23;
	[sflag:s19] =	ssyncadd.s32 $0xFFFFF000  }
.LBB2_13:
0xbd: {  	v2 =	vld [tilespmem:s3+$0x0];
	_ =	sdelay $0x4  }
0xbe: {  	vm0 =	vlt.s32 v2, v1  }
0xbf: {  	v4 =	vmpcnt.ones.xlane vm0;
	_ =	sdelay $0x1  }
0xc0: {  	(v2sf) =	vpush v4, $0x0;
	_ =	sdelay $0x1  }
0xc1: {  	v3 =	vsub.s32 v2, v0  }
0xc2: {  	v5 =	vld [tilespmem:s3+$0x4080];
	v3 =	vshll.u32 v3, $0x1  }
0xc3: {  	v2 =	vand.u32 $0x7F, v2;
	v3 =	vand.u32 $0xFFFFFF00, v3  }
0xc4: {  	v2 =	vor.u32 v2, v3;
	_ =	sdelay $0x2  }
0xc5: {  	v3 =	vshll.u32 v5, $0x1  }
0xc6: {  	v62 =	vand.u32 $0x7F, v5;
	v3 =	vand.u32 $0xFFFFFF00, v3  }
0xc7: {  	v3 =	vor.u32 v62, v3;
	v63 =	vld.idx.msk [tilespmem:v2+s5+$0x0], vm0  }
0xc8: {  	v2 =	vor.u32 $0x80, v2;
	_ =	sdelay $0x3  }
0xc9: {  	[tilespmem:v3+s9+$0x0] =	vst.idx.msk vm0, v63;
	s14 =	spop (v2sf)  }
0xca: {  	v3 =	vor.u32 $0x80, v3;
	v2 =	vld.idx.msk [tilespmem:v2+s5+$0x0], vm0;
	p1 =	seq.s32 s14, $0x10  }
.Ltmp5:
0xcb: {  	_ = 	snop;
	(pc) =	sbr.rel @p1 .LBB2_13-.Ltmp5, $2  }
0xcc: {  	_ =	sdelay $0x2  }
0xcd: {  	[tilespmem:v3+s9+$0x0] =	vst.idx.msk vm0, v2;
	s3 =	sadd.s32 s3, s14  }
0xce: {  	s14 =	sadd.s32 @!p0 s30, s20  }
0xcf: {  	s15 =	simm.s32 @!p0 $0x100;
	s14 =	sshrl.u32 @!p0 s14, $0x3  }
0xd0: {  	s16 =	simm.s32 @!p0 $0x400;
	s23 =	simm.s32 @!p0 $0xD100;
	s14 =	sadd.s32 @!p0 s1, s14  }
0xd1: {  	[tilespmem:s23], [sflag:$0x6] =	stream.strided.gather @!p0 [hbm4b:s14+s15], $0x1000, s16, s15, $0x38;
	[tilespmem:$0x18200] =	vst v63  }
0xd2: {  	_ =	swait.ge [sflag:s21], $0x1000  }
0xd3: {  	s23 =	sor.u32 $0x3800, s29;
	[sflag:s21] =	ssyncset.done $0x0  }
0xd4: {  	v0 =	vmov s23;
	[sflag:s21] =	ssyncadd.s32 $0xFFFFF000  }
.LBB2_15:
0xd5: {  	v2 =	vld [tilespmem:s3+$0x0];
	_ =	sdelay $0x4  }
0xd6: {  	vm0 =	vlt.s32 v2, v0  }
0xd7: {  	v4 =	vmpcnt.ones.xlane vm0;
	_ =	sdelay $0x1  }
0xd8: {  	(v2sf) =	vpush v4, $0x0;
	_ =	sdelay $0x1  }
0xd9: {  	v3 =	vsub.s32 v2, v1  }
0xda: {  	v5 =	vld [tilespmem:s3+$0x4080];
	v3 =	vshll.u32 v3, $0x1  }
0xdb: {  	v2 =	vand.u32 $0x7F, v2;
	v3 =	vand.u32 $0xFFFFFF00, v3  }
0xdc: {  	v2 =	vor.u32 v2, v3;
	_ =	sdelay $0x2  }
0xdd: {  	v3 =	vshll.u32 v5, $0x1  }
0xde: {  	v62 =	vand.u32 $0x7F, v5;
	v3 =	vand.u32 $0xFFFFFF00, v3  }
0xdf: {  	v3 =	vor.u32 v62, v3;
	v63 =	vld.idx.msk [tilespmem:v2+s6+$0x0], vm0  }
0xe0: {  	v2 =	vor.u32 $0x80, v2;
	_ =	sdelay $0x3  }
0xe1: {  	[tilespmem:v3+s9+$0x0] =	vst.idx.msk vm0, v63;
	s14 =	spop (v2sf)  }
0xe2: {  	v3 =	vor.u32 $0x80, v3;
	v2 =	vld.idx.msk [tilespmem:v2+s6+$0x0], vm0;
	p1 =	seq.s32 s14, $0x10  }
.Ltmp6:
0xe3: {  	_ = 	snop;
	(pc) =	sbr.rel @p1 .LBB2_15-.Ltmp6, $2  }
0xe4: {  	_ =	sdelay $0x2  }
0xe5: {  	[tilespmem:v3+s9+$0x0] =	vst.idx.msk vm0, v2;
	s3 =	sadd.s32 s3, s14  }
0xe6: {  	s14 =	sadd.s32 @!p0 s30, s22  }
0xe7: {  	s15 =	simm.s32 @!p0 $0x100;
	s14 =	sshrl.u32 @!p0 s14, $0x3  }
0xe8: {  	s16 =	simm.s32 @!p0 $0x400;
	s23 =	simm.s32 @!p0 $0xE100;
	s14 =	sadd.s32 @!p0 s1, s14  }
0xe9: {  	[tilespmem:s23], [sflag:$0x7] =	stream.strided.gather @!p0 [hbm4b:s14+s15], $0x1000, s16, s15, $0x38;
	[tilespmem:$0x18200] =	vst v63  }
0xea: {  	_ =	swait.ge [sflag:s24], $0x1000  }
0xeb: {  	s29 =	sadd.s32 $0x4000, s29;
	[sflag:s24] =	ssyncset.done $0x0  }
0xec: {  	v1 =	vmov s29;
	[sflag:s24] =	ssyncadd.s32 $0xFFFFF000  }
.LBB2_17:
0xed: {  	v2 =	vld [tilespmem:s3+$0x0];
	_ =	sdelay $0x4  }
0xee: {  	vm0 =	vlt.s32 v2, v1  }
0xef: {  	v4 =	vmpcnt.ones.xlane vm0;
	_ =	sdelay $0x1  }
0xf0: {  	(v2sf) =	vpush v4, $0x0;
	_ =	sdelay $0x1  }
0xf1: {  	v3 =	vsub.s32 v2, v0  }
0xf2: {  	v5 =	vld [tilespmem:s3+$0x4080];
	v3 =	vshll.u32 v3, $0x1  }
0xf3: {  	v2 =	vand.u32 $0x7F, v2;
	v3 =	vand.u32 $0xFFFFFF00, v3  }
0xf4: {  	v2 =	vor.u32 v2, v3;
	_ =	sdelay $0x2  }
0xf5: {  	v3 =	vshll.u32 v5, $0x1  }
0xf6: {  	v62 =	vand.u32 $0x7F, v5;
	v3 =	vand.u32 $0xFFFFFF00, v3  }
0xf7: {  	v3 =	vor.u32 v62, v3;
	v63 =	vld.idx.msk [tilespmem:v2+s7+$0x0], vm0  }
0xf8: {  	v2 =	vor.u32 $0x80, v2;
	_ =	sdelay $0x3  }
0xf9: {  	[tilespmem:v3+s9+$0x0] =	vst.idx.msk vm0, v63;
	s14 =	spop (v2sf)  }
0xfa: {  	v3 =	vor.u32 $0x80, v3;
	v2 =	vld.idx.msk [tilespmem:v2+s7+$0x0], vm0;
	p1 =	seq.s32 s14, $0x10  }
.Ltmp7:
0xfb: {  	_ = 	snop;
	(pc) =	sbr.rel @p1 .LBB2_17-.Ltmp7, $2  }
0xfc: {  	_ =	sdelay $0x2  }
0xfd: {  	[tilespmem:v3+s9+$0x0] =	vst.idx.msk vm0, v2;
	s3 =	sadd.s32 s3, s14  }
.Ltmp8:
0xfe: {  	(pc) =	sbr.rel @p0 .LBB2_20-.Ltmp8, $2  }
0xff: {  	_ =	sdelay $0x2  }
0x100: {  	s23 =	simm.s32 $0x100  }
.Ltmp9:
0x101: {  	s14 =	rddreg [dreg:$0x13];
	(pc) =	sbr.rel .LBB2_2-.Ltmp9, $4  }
0x102: {  	s14 =	sadd.s32 s30, s14  }
0x103: {  	s14 =	sshrl.u32 s14, $0x3  }
0x104: {  	s15 =	simm.s32 $0x400;
	s26 =	sadd.s32 $0x1, s26;
	s14 =	sadd.s32 s1, s14  }
0x105: {  	[tilespmem:s7], [sflag:$0x8] =	stream.strided.gather [hbm4b:s14+s23], $0x1000, s15, s23, $0x38;
	[tilespmem:$0x18200] =	vst v63  }
.LBB2_20:
0x106: {  	s14 =	rddreg [dreg:$0x14];
	s26 =	simm.s32 $0x400;
	s16 =	simm.s32 $0x9  }
0x107: {  	[tilespmem:s31], [sflag:$0x9] =	stream.strided.gather [hbm4b:s14+s23], $0x400, s26, s23, $0x38;
	[tilespmem:$0x18200] =	vst v63  }
0x108: {  	_ =	swait.ge [sflag:s16], $0x400  }
0x109: {  	[sflag:s16] =	ssyncset.done $0x0  }
0x10a: {  	[sflag:s16] =	ssyncadd.s32 $0xFFFFFC00  }
.LBB2_21:
0x10b: {  	v0 =	vld [tilespmem:s3+$0x0];
	_ =	sdelay $0x4  }
0x10c: {  	vm0 =	vlt.s32 v0, $0xF4200  }
0x10d: {  	v2 =	vmpcnt.ones.xlane vm0;
	_ =	sdelay $0x1  }
0x10e: {  	(v2sf) =	vpush v2, $0x0;
	_ =	sdelay $0x1  }
0x10f: {  	v1 =	vshll.u32 v0, $0x1  }
0x110: {  	v3 =	vld [tilespmem:s3+$0x4080];
	v0 =	vand.u32 $0x7F, v0;
	v1 =	vand.u32 $0xFFFFFF00, v1  }
0x111: {  	v0 =	vor.u32 v0, v1  }
0x112: {  	v1 =	vadd.s32 $0xFFE18000, v0;
	_ =	sdelay $0x2  }
0x113: {  	v62 =	vshll.u32 v3, $0x1  }
0x114: {  	v3 =	vand.u32 $0x7F, v3;
	v2 =	vand.u32 $0xFFFFFF00, v62  }
0x115: {  	v2 =	vor.u32 v3, v2;
	v1 =	vld.idx.msk [tilespmem:v1+s31+$0x0], vm0  }
0x116: {  	v0 =	vadd.s32 $0xFFE18080, v0;
	_ =	sdelay $0x3  }
0x117: {  	[tilespmem:v2+s9+$0x0] =	vst.idx.msk vm0, v1;
	s14 =	spop (v2sf)  }
0x118: {  	v63 =	vor.u32 $0x80, v2;
	v0 =	vld.idx.msk [tilespmem:v0+s31+$0x0], vm0;
	p0 =	seq.s32 s14, $0x10  }
.Ltmp10:
0x119: {  	_ = 	snop;
	(pc) =	sbr.rel @p0 .LBB2_21-.Ltmp10, $2  }
0x11a: {  	_ =	sdelay $0x2  }
0x11b: {  	[tilespmem:v63+s9+$0x0] =	vst.idx.msk vm0, v0;
	s3 =	sadd.s32 s3, s14  }
0x11c: {  	s15 =	simm.s32 $0x0;
	s14 =	rddreg [dreg:$0x11]  }
0x11d: {  	[tilespmem:s25], [sflag:$0x9] =	stream.linear.gather [hbm4b:s14+s15], $0x100, $0x38;
	[tilespmem:$0x18200] =	vst v63  }
0x11e: {  	_ =	swait.ge [sflag:s16], $0x100  }
0x11f: {  	[sflag:s16] =	ssyncset.done $0x0  }
0x120: {  	[sflag:s16] =	ssyncadd.s32 $0xFFFFFF00  }
.LBB2_23:
0x121: {  	v0 =	vld [tilespmem:s3+$0x0];
	_ =	sdelay $0x4  }
0x122: {  	vm0 =	vlt.s32 v0, $0xF4240  }
0x123: {  	v1 =	vmpcnt.ones.xlane vm0;
	_ =	sdelay $0x1  }
0x124: {  	(v2sf) =	vpush v1, $0x0;
	_ =	sdelay $0x2  }
0x125: {  	v2 =	vld [tilespmem:s3+$0x4080];
	_ =	sdelay $0x1  }
0x126: {  	v62 =	vadd.s32 $0xFFF0BE00, v0;
	_ =	sdelay $0x2  }
0x127: {  	v3 =	vshll.u32 v2, $0x1  }
0x128: {  	v2 =	vand.u32 $0x7F, v2;
	v3 =	vand.u32 $0xFFFFFF00, v3  }
0x129: {  	v2 =	vor.u32 v2, v3;
	v1 =	vld.idx.msk [tilespmem:v62+s25+$0x0], vm0  }
0x12a: {  	v0 =	vadd.s32 $0xFFF0BE80, v0;
	_ =	sdelay $0x3  }
0x12b: {  	[tilespmem:v2+s9+$0x0] =	vst.idx.msk vm0, v1;
	s14 =	spop (v2sf)  }
0x12c: {  	v63 =	vor.u32 $0x80, v2;
	v0 =	vld.idx.msk [tilespmem:v0+s25+$0x0], vm0;
	p0 =	seq.s32 s14, $0x10  }
.Ltmp11:
0x12d: {  	_ = 	snop;
	(pc) =	sbr.rel @p0 .LBB2_23-.Ltmp11, $2  }
0x12e: {  	_ =	sdelay $0x2  }
0x12f: {  	[tilespmem:v63+s9+$0x0] =	vst.idx.msk vm0, v0;
	s3 =	sadd.s32 s3, s14  }
0x130: {  	s3 =	rddreg [dreg:$0x12]  }
0x131: {  	[hbm4b:s3+s23] =	stream.strided.scatter [tilespmem:s9], [sflag:$0x9], $0x8000, s26, s23, $0x38;
	[tilespmem:$0x18200] =	vst v63  }
0x132: {  	_ =	swait.ge [sflag:s16], $0x8000  }
0x133: {  	s14 =	rddreg [dreg:$0x16]  }
0x134: {  	s30 =	rddreg [dreg:$0x15];
	s14 =	sadd.s32 $0x1, s14  }
0x135: {  	p0 =	sne.s32 s14, s30  }
.Ltmp12:
0x136: {  	_ = 	snop;
	(pc) =	sbr.rel @p0 .LBB2_1-.Ltmp12, $3  }
0x137: {  	_ =	sdelay $0x1  }
0x138: {  	[sflag:s16] =	ssyncset.done $0x0  }
0x139: {  	[sflag:s16] =	ssyncadd.s32 $0xFFFF8000  }
0x13a: {  	_ =	sfence.sel $0x180000  }
0x13b: {  	[bflag:$0x0] =	sbarrier.arrive $0xFFFF  }
0x13c: {  	_ =	strace $0x90000047  }
0x13d: {  	s0 =	stileid.u32;
	[bflag:$0x2] =	sbarrier.arrive $0xFFFF  }
0x13e: {  	p0 =	sne.s32 s0, $0x0;
	s0 =	rddreg [dreg:$0x3]  }
0x13f: {  	s0 =	sadd.s32 @!p0 $0x100000, s0  }
0x140: {  	[sflag:s0] =	ssyncadd.tile.s32 @!p0 $0x1;
	_ =	shalt  }
.Lfunc_end2:
_tile_overlayer_lowered:
.L_overlay_start_2:
0x141: {  	(tag) =	ssettag $0x2  }
0x142: {  	s0 =	rddreg [dreg:$0x0];
	s2 =	stileid.u32  }
0x143: {  	s1 =	rddreg [dreg:$0x1];
	p0 =	sne.s32 s2, $0x0  }
0x144: {  	s3 =	rddreg [dreg:$0x2];
	[bflag:$0x3] =	sbarrier.arrive $0xFFFF;
	s2 =	simm.s32 @!p0 $0x1C09  }
0x145: {  	[timem:s3], [sflag:s2] =	dma.local @!p0 [hbm:s0], s1  }
0x146: {  	s0 =	simm.s32 @!p0 $0x9  }
0x147: {  	_ =	swait.ge @!p0 [sflag:s0], s1  }
0x148: {  	s1 =	ssub.s32 @!p0 $0x0, s1;
	[sflag:s0] =	ssyncset.done @!p0 $0x0  }
0x149: {  	[sflag:s0] =	ssyncadd.s32 @!p0 s1  }
0x14a: {  	[bflag:$0x3] =	sbarrier.arrive $0xFFFF  }
0x14b: {  	_ =	shalt  }

</sc_bundles>
